<compile_context>
chip_gen: v7x
topology: tpu7x:2x2x1
jax: 0.10.2.dev20260603
libtpu: 0.0.44.dev20260713+nightly
codegen_flags: <defaults>
</compile_context>

<pallas_src>
import functools

import jax
import jax.numpy as jnp
from jax import lax
from jax.experimental import pallas as pl
from jax.experimental.pallas import tpu as pltpu
from jax.experimental.pallas import tpu_sc as plsc

N = 10000
D = 128
E = 320000

NC, NS, L = 2, 16, 16
NW = NC * NS
CHUNK = 128
EPT = 10240
NCHUNK = EPT // CHUNK
EPAD = EPT * NW
IDX_ROWS = EPAD // CHUNK
NBUF = 2
NPAD = 10240
RPT = NPAD // NS

_f32 = jnp.float32


def _deg_body(dst_hbm, deg0_hbm, deg1_hbm, deg_acc, dst_v, ones_v, zeros_v):
    c = lax.axis_index("c")
    s = lax.axis_index("s")
    w = c * NS + s

    def fill_zeros(i, carry):
        zeros_v[pl.ds(i * L, L)] = jnp.zeros((L,), _f32)
        return carry

    lax.fori_loop(0, RPT // L, fill_zeros, 0)

    def fill_ones(i, carry):
        ones_v[pl.ds(i * L, L)] = jnp.ones((L,), _f32)
        return carry

    lax.fori_loop(0, CHUNK // L, fill_ones, 0)

    pltpu.sync_copy(zeros_v, deg_acc.at[pl.ds(s * RPT, RPT)])
    pltpu.sync_copy(dst_hbm.at[pl.ds(w * NCHUNK, NCHUNK)], dst_v)
    plsc.subcore_barrier()

    def body(k, carry):
        pltpu.sync_copy(ones_v, deg_acc.at[dst_v.at[k]], add=True)
        return carry

    lax.fori_loop(0, NCHUNK, body, 0)
    plsc.subcore_barrier()

    rows = pl.ds(s * RPT, RPT)

    @pl.when(c == 0)
    def _():
        pltpu.sync_copy(deg_acc.at[rows], deg0_hbm.at[rows])

    @pl.when(c == 1)
    def _():
        pltpu.sync_copy(deg_acc.at[rows], deg1_hbm.at[rows])


@functools.lru_cache(maxsize=None)
def _deg_call():
    mesh = plsc.VectorSubcoreMesh(
        core_axis_name="c", subcore_axis_name="s", num_cores=NC, num_subcores=NS
    )
    return pl.kernel(
        _deg_body,
        out_type=(
            jax.ShapeDtypeStruct((NPAD,), _f32),
            jax.ShapeDtypeStruct((NPAD,), _f32),
        ),
        mesh=mesh,
        scratch_types=[
            pltpu.VMEM_SHARED((NPAD,), _f32),
            pltpu.VMEM((NCHUNK, CHUNK), jnp.int32),
            pltpu.VMEM((CHUNK,), _f32),
            pltpu.VMEM((RPT,), _f32),
        ],
    )


def _deg(dst):
    return _deg_call()(dst)


HALF = NCHUNK // 2


def _agg_body(y_hbm, src_hbm, dst_hbm, out0_hbm, out1_hbm,
              acc, src_v, dst_v, buf0, buf1, sem0, sem1):
    c = lax.axis_index("c")
    s = lax.axis_index("s")
    w = c * NS + s
    rows = pl.ds(s * RPT, RPT)

    pltpu.sync_copy(y_hbm.at[rows], acc.at[rows])

    bufs = (buf0, buf1)
    sems = (sem0, sem1)

    for p in range(2):
        pltpu.sync_copy(src_hbm.at[pl.ds(w * NCHUNK + p * HALF, HALF)], src_v)
        pltpu.sync_copy(dst_hbm.at[pl.ds(w * NCHUNK + p * HALF, HALF)], dst_v)
        if p == 0:
            plsc.subcore_barrier()
        for i in range(NBUF):
            pltpu.async_copy(y_hbm.at[src_v.at[i]], bufs[i], sems[i])

        def body(j, carry):
            g = NBUF * j
            for i in range(NBUF):
                pltpu.make_async_copy(y_hbm.at[src_v.at[g + i]], bufs[i], sems[i]).wait()
                pltpu.sync_copy(bufs[i], acc.at[dst_v.at[g + i]], add=True)

                @pl.when(g + NBUF + i < HALF)
                def _():
                    pltpu.async_copy(y_hbm.at[src_v.at[g + NBUF + i]], bufs[i], sems[i])
            return carry

        lax.fori_loop(0, HALF // NBUF, body, 0)
    plsc.subcore_barrier()

    @pl.when(c == 0)
    def _():
        pltpu.sync_copy(acc.at[rows], out0_hbm.at[rows])

    @pl.when(c == 1)
    def _():
        pltpu.sync_copy(acc.at[rows], out1_hbm.at[rows])


@functools.lru_cache(maxsize=None)
def _agg_call():
    mesh = plsc.VectorSubcoreMesh(
        core_axis_name="c", subcore_axis_name="s", num_cores=NC, num_subcores=NS
    )
    return pl.kernel(
        _agg_body,
        out_type=(
            jax.ShapeDtypeStruct((NPAD, D), _f32),
            jax.ShapeDtypeStruct((NPAD, D), _f32),
        ),
        mesh=mesh,
        scratch_types=[
            pltpu.VMEM_SHARED((NPAD, D), _f32),
            pltpu.VMEM((HALF, CHUNK), jnp.int32),
            pltpu.VMEM((HALF, CHUNK), jnp.int32),
            pltpu.VMEM((CHUNK, D), _f32),
            pltpu.VMEM((CHUNK, D), _f32),
            pltpu.SemaphoreType.DMA,
            pltpu.SemaphoreType.DMA,
        ],
    )


def _agg(y, src, dst):
    return _agg_call()(y, src, dst)


_BR = 1024
_GRID = NPAD // _BR


def _mm_body(x_ref, w_ref, o_ref):
    o_ref[...] = jnp.dot(x_ref[...], w_ref[...], preferred_element_type=_f32)


_mm_call = pl.pallas_call(
    _mm_body,
    grid=(_GRID,),
    in_specs=[
        pl.BlockSpec((_BR, D), lambda i: (i, 0)),
        pl.BlockSpec((D, D), lambda i: (0, 0)),
    ],
    out_specs=pl.BlockSpec((_BR, D), lambda i: (i, 0)),
    out_shape=jax.ShapeDtypeStruct((NPAD, D), _f32),
)


def _scale_body(d0_ref, d1_ref, z_ref, y_ref, dinv_ref):
    deg = d0_ref[...] + d1_ref[...] + 1.0
    dinv = lax.rsqrt(deg)
    y_ref[...] = z_ref[...] * dinv
    dinv_ref[...] = dinv


_scale_call = pl.pallas_call(
    _scale_body,
    grid=(_GRID,),
    in_specs=[
        pl.BlockSpec((_BR, 1), lambda i: (i, 0)),
        pl.BlockSpec((_BR, 1), lambda i: (i, 0)),
        pl.BlockSpec((_BR, D), lambda i: (i, 0)),
    ],
    out_specs=[
        pl.BlockSpec((_BR, D), lambda i: (i, 0)),
        pl.BlockSpec((_BR, 1), lambda i: (i, 0)),
    ],
    out_shape=[
        jax.ShapeDtypeStruct((NPAD, D), _f32),
        jax.ShapeDtypeStruct((NPAD, 1), _f32),
    ],
)


def _layer2_body(a0_ref, a1_ref, y_ref, dinv_ref, b1_ref, w2_ref, y2_ref):
    agg = a0_ref[...] + a1_ref[...] - y_ref[...]
    h = jnp.maximum(agg * dinv_ref[...] + b1_ref[...], 0.0)
    y2 = jnp.dot(h, w2_ref[...], preferred_element_type=_f32) * dinv_ref[...]
    row = pl.program_id(0) * _BR + lax.broadcasted_iota(jnp.int32, (_BR, D), 0)
    y2_ref[...] = jnp.where(row < N, y2, 0.0)


_layer2_call = pl.pallas_call(
    _layer2_body,
    grid=(_GRID,),
    in_specs=[
        pl.BlockSpec((_BR, D), lambda i: (i, 0)),
        pl.BlockSpec((_BR, D), lambda i: (i, 0)),
        pl.BlockSpec((_BR, D), lambda i: (i, 0)),
        pl.BlockSpec((_BR, 1), lambda i: (i, 0)),
        pl.BlockSpec((1, D), lambda i: (0, 0)),
        pl.BlockSpec((D, D), lambda i: (0, 0)),
    ],
    out_specs=pl.BlockSpec((_BR, D), lambda i: (i, 0)),
    out_shape=jax.ShapeDtypeStruct((NPAD, D), _f32),
)


_BH = 1000
D_OUT = 2


def _head_body(a0_ref, a1_ref, y_ref, dinv_ref, b2_ref, wl_ref, bl_ref, o_ref):
    agg = a0_ref[...] + a1_ref[...] - y_ref[...]
    h = jnp.maximum(agg * dinv_ref[...] + b2_ref[...], 0.0)
    o_ref[...] = jnp.dot(h, wl_ref[...], preferred_element_type=_f32) + bl_ref[...]


_head_call = pl.pallas_call(
    _head_body,
    grid=(N // _BH,),
    in_specs=[
        pl.BlockSpec((_BH, D), lambda i: (i, 0)),
        pl.BlockSpec((_BH, D), lambda i: (i, 0)),
        pl.BlockSpec((_BH, D), lambda i: (i, 0)),
        pl.BlockSpec((_BH, 1), lambda i: (i, 0)),
        pl.BlockSpec((1, D), lambda i: (0, 0)),
        pl.BlockSpec((D, D_OUT), lambda i: (0, 0)),
        pl.BlockSpec((1, D_OUT), lambda i: (0, 0)),
    ],
    out_specs=pl.BlockSpec((_BH, D_OUT), lambda i: (i, 0)),
    out_shape=jax.ShapeDtypeStruct((N, D_OUT), _f32),
)


@functools.partial(jax.jit, donate_argnums=())
def kernel(x, edge_index, W1, b1, W2, b2, Wl, bl):
    ei = edge_index.astype(jnp.int32)
    pad = N + jnp.arange(EPAD - E, dtype=jnp.int32) % (NPAD - N)
    src = jnp.concatenate([ei[0], pad]).reshape(IDX_ROWS, CHUNK)
    dst = jnp.concatenate([ei[1], pad]).reshape(IDX_ROWS, CHUNK)
    x_pad = jnp.concatenate([x, jnp.zeros((NPAD - N, D), _f32)], axis=0)

    deg0, deg1 = _deg(dst)
    z1 = _mm_call(x_pad, W1)
    y1, dinv = _scale_call(deg0.reshape(NPAD, 1), deg1.reshape(NPAD, 1), z1)
    a0, a1 = _agg(y1, src, dst)
    y2 = _layer2_call(a0, a1, y1, dinv, b1.reshape(1, D), W2)
    c0, c1 = _agg(y2, src, dst)
    return _head_call(c0, c1, y2, dinv, b2.reshape(1, D), Wl, bl.reshape(1, D_OUT))

# --- scband reference (transcript-rebuilt; emitter-appended) ---
"""Pipeline reference for scband-elliptic-gnn-52518860095815 (READ-ONLY COPY).

The authoritative reference and input builder live on the scoring server;
editing this copy changes nothing except your own understanding.
"""

import jax, jax.numpy as jnp
import numpy as np

N_NODES = 10000
D_IN = 128
D_HID = 128
D_OUT = 2
N_EDGES = 320000


def setup_inputs(seed: int = 0) -> dict:
    key = jax.random.key(seed)
    ks = jax.random.split(key, 8)
    x = jax.random.normal(ks[0], (N_NODES, D_IN), dtype=jnp.float32)
    edge_index = jax.random.randint(ks[1], (2, N_EDGES), 0, N_NODES, dtype=jnp.int64)
    s1 = 1.0 / np.sqrt(D_IN)
    s2 = 1.0 / np.sqrt(D_HID)
    W1 = jax.random.uniform(ks[2], (D_IN, D_HID), jnp.float32, -s1, s1)
    b1 = jnp.zeros((D_HID,), jnp.float32)
    W2 = jax.random.uniform(ks[3], (D_HID, D_HID), jnp.float32, -s2, s2)
    b2 = jnp.zeros((D_HID,), jnp.float32)
    Wl = jax.random.uniform(ks[4], (D_HID, D_OUT), jnp.float32, -s2, s2)
    bl = jnp.zeros((D_OUT,), jnp.float32)
    return {"x": x, "edge_index": edge_index, "W1": W1, "b1": b1, "W2": W2, "b2": b2, "Wl": Wl, "bl": bl}


def _gcn_conv(x, src, dst, W, b, num_nodes):
    # x @ W then symmetric-normalized propagation with self-loops (GCNConv)
    xw = x @ W
    deg = jnp.zeros((num_nodes,), jnp.float32).at[dst].add(1.0)
    dinv = jnp.where(deg > 0, deg ** -0.5, 0.0)
    norm = dinv[src] * dinv[dst]
    msg = xw[src] * norm[:, None]
    out = jax.ops.segment_sum(msg, dst, num_segments=num_nodes)
    return out + b


def reference(x, edge_index, W1, b1, W2, b2, Wl, bl):
    num_nodes = x.shape[0]
    loop = jnp.arange(num_nodes, dtype=edge_index.dtype)
    src = jnp.concatenate([edge_index[0], loop])
    dst = jnp.concatenate([edge_index[1], loop])
    h = _gcn_conv(x, src, dst, W1, b1, num_nodes)
    h = jax.nn.relu(h)
    # dropout is identity in eval mode
    h = _gcn_conv(h, src, dst, W2, b2, num_nodes)
    h = jax.nn.relu(h)
    return h @ Wl + bl

if __name__ == "__main__":
    import jax
    _d = setup_inputs()
    print(jax.jit(kernel)(*tuple(_d.values())))

</pallas_src>

<mosaic_0001>
#map = affine_map<(d0, d1) -> (0, 0)>
module attributes {stable_mosaic.version = 14 : i64} {
  func.func @_agg_body(%arg0: i32, %arg1: i32, %arg2: memref<10240x128xf32, #tpu.memory_space<hbm>>, %arg3: memref<2560x128xi32, #tpu.memory_space<hbm>>, %arg4: memref<2560x128xi32, #tpu.memory_space<hbm>>, %arg5: memref<10240x128xf32, #tpu.memory_space<hbm>>, %arg6: memref<10240x128xf32, #tpu.memory_space<hbm>>, %arg7: memref<10240x128xf32, #tpu.memory_space<vmem_shared>>, %arg8: memref<40x128xi32, #tpu.memory_space<vmem>>, %arg9: memref<40x128xi32, #tpu.memory_space<vmem>>, %arg10: memref<128x128xf32, #tpu.memory_space<vmem>>, %arg11: memref<128x128xf32, #tpu.memory_space<vmem>>, %arg12: memref<!tpu.dma_semaphore, #tpu.memory_space<semaphore_mem>>, %arg13: memref<!tpu.dma_semaphore, #tpu.memory_space<semaphore_mem>>) attributes {dimension_semantics = [#tpu.dimension_semantics<core_parallel>, #tpu.dimension_semantics<subcore_parallel>], iteration_bounds = array<i64: 2, 16>, scalar_prefetch = 0 : i64, scratch_operands = 7 : i64, tpu.core_type = #tpu.core_type<sc_vector_subcore>, window_params = [{transform_indices = #map}, {transform_indices = #map}, {transform_indices = #map}, {transform_indices = #map}, {transform_indices = #map}]} {
    %mul3A = arith.constant 16 : i32
    %mul3A_0 = arith.muli %arg0, %mul3A : i32
    %add3A = arith.addi %mul3A_0, %arg1 : i32
    %mul3A_1 = arith.constant 640 : i32
    %mul3A_2 = arith.muli %arg1, %mul3A_1 : i32
    "tpu.region"() ({
      %run_scoped3A = tpu.sem_alloc : memref<!tpu.dma_semaphore, #tpu.memory_space<semaphore_mem>>
      %dma_start3A_65 = arith.constant 0 : i32
      %dma_start3A_66 = tpu.memref_slice %arg7[%mul3A_2, %dma_start3A_65] : memref<10240x128xf32, #tpu.memory_space<vmem_shared>> -> memref<640x128xf32, #tpu.memory_space<vmem_shared>>
      %dma_start3A_67 = arith.constant 0 : i32
      %dma_start3A_68 = tpu.memref_slice %arg2[%mul3A_2, %dma_start3A_67] : memref<10240x128xf32, #tpu.memory_space<hbm>> -> memref<640x128xf32, #tpu.memory_space<hbm>>
      tpu.enqueue_dma source(%dma_start3A_68 : memref<640x128xf32, #tpu.memory_space<hbm>>) target(%dma_start3A_66 : memref<640x128xf32, #tpu.memory_space<vmem_shared>>) target_semaphore(%run_scoped3A : memref<!tpu.dma_semaphore, #tpu.memory_space<semaphore_mem>>)
      %dma_wait3A = arith.constant 0 : i32
      %dma_wait3A_69 = tpu.memref_slice %arg7[%mul3A_2, %dma_wait3A] : memref<10240x128xf32, #tpu.memory_space<vmem_shared>> -> memref<640x128xf32, #tpu.memory_space<vmem_shared>>
      %dma_wait3A_70 = arith.constant 0 : i32
      %dma_wait3A_71 = tpu.memref_slice %arg2[%mul3A_2, %dma_wait3A_70] : memref<10240x128xf32, #tpu.memory_space<hbm>> -> memref<640x128xf32, #tpu.memory_space<hbm>>
      tpu.wait_dma2 semaphore(%run_scoped3A : memref<!tpu.dma_semaphore, #tpu.memory_space<semaphore_mem>>) src(%dma_wait3A_71 : memref<640x128xf32, #tpu.memory_space<hbm>>) dst(%dma_wait3A_69 : memref<640x128xf32, #tpu.memory_space<vmem_shared>>)
      tpu.yield
    }) : () -> ()
    %mul3A_3 = arith.constant 80 : i32
    %mul3A_4 = arith.muli %add3A, %mul3A_3 : i32
    %add3A_5 = arith.constant 0 : i32
    %add3A_6 = arith.addi %mul3A_4, %add3A_5 : i32
    "tpu.region"() ({
      %run_scoped3A = tpu.sem_alloc : memref<!tpu.dma_semaphore, #tpu.memory_space<semaphore_mem>>
      %dma_start3A_65 = arith.constant 0 : i32
      %dma_start3A_66 = tpu.memref_slice %arg3[%add3A_6, %dma_start3A_65] : memref<2560x128xi32, #tpu.memory_space<hbm>> -> memref<40x128xi32, #tpu.memory_space<hbm>>
      %dma_start3A_67 = arith.constant 0 : i32
      %dma_start3A_68 = tpu.memref_slice %arg3[%add3A_6, %dma_start3A_67] : memref<2560x128xi32, #tpu.memory_space<hbm>> -> memref<40x128xi32, #tpu.memory_space<hbm>>
      tpu.enqueue_dma source(%dma_start3A_68 : memref<40x128xi32, #tpu.memory_space<hbm>>) target(%arg8 : memref<40x128xi32, #tpu.memory_space<vmem>>) target_semaphore(%run_scoped3A : memref<!tpu.dma_semaphore, #tpu.memory_space<semaphore_mem>>)
      %dma_wait3A = arith.constant 0 : i32
      %dma_wait3A_69 = tpu.memref_slice %arg3[%add3A_6, %dma_wait3A] : memref<2560x128xi32, #tpu.memory_space<hbm>> -> memref<40x128xi32, #tpu.memory_space<hbm>>
      %dma_wait3A_70 = arith.constant 0 : i32
      %dma_wait3A_71 = tpu.memref_slice %arg3[%add3A_6, %dma_wait3A_70] : memref<2560x128xi32, #tpu.memory_space<hbm>> -> memref<40x128xi32, #tpu.memory_space<hbm>>
      tpu.wait_dma2 semaphore(%run_scoped3A : memref<!tpu.dma_semaphore, #tpu.memory_space<semaphore_mem>>) src(%dma_wait3A_71 : memref<40x128xi32, #tpu.memory_space<hbm>>) dst(%arg8 : memref<40x128xi32, #tpu.memory_space<vmem>>)
      tpu.yield
    }) : () -> ()
    %mul3A_7 = arith.constant 80 : i32
    %mul3A_8 = arith.muli %add3A, %mul3A_7 : i32
    %add3A_9 = arith.constant 0 : i32
    %add3A_10 = arith.addi %mul3A_8, %add3A_9 : i32
    "tpu.region"() ({
      %run_scoped3A = tpu.sem_alloc : memref<!tpu.dma_semaphore, #tpu.memory_space<semaphore_mem>>
      %dma_start3A_65 = arith.constant 0 : i32
      %dma_start3A_66 = tpu.memref_slice %arg4[%add3A_10, %dma_start3A_65] : memref<2560x128xi32, #tpu.memory_space<hbm>> -> memref<40x128xi32, #tpu.memory_space<hbm>>
      %dma_start3A_67 = arith.constant 0 : i32
      %dma_start3A_68 = tpu.memref_slice %arg4[%add3A_10, %dma_start3A_67] : memref<2560x128xi32, #tpu.memory_space<hbm>> -> memref<40x128xi32, #tpu.memory_space<hbm>>
      tpu.enqueue_dma source(%dma_start3A_68 : memref<40x128xi32, #tpu.memory_space<hbm>>) target(%arg9 : memref<40x128xi32, #tpu.memory_space<vmem>>) target_semaphore(%run_scoped3A : memref<!tpu.dma_semaphore, #tpu.memory_space<semaphore_mem>>)
      %dma_wait3A = arith.constant 0 : i32
      %dma_wait3A_69 = tpu.memref_slice %arg4[%add3A_10, %dma_wait3A] : memref<2560x128xi32, #tpu.memory_space<hbm>> -> memref<40x128xi32, #tpu.memory_space<hbm>>
      %dma_wait3A_70 = arith.constant 0 : i32
      %dma_wait3A_71 = tpu.memref_slice %arg4[%add3A_10, %dma_wait3A_70] : memref<2560x128xi32, #tpu.memory_space<hbm>> -> memref<40x128xi32, #tpu.memory_space<hbm>>
      tpu.wait_dma2 semaphore(%run_scoped3A : memref<!tpu.dma_semaphore, #tpu.memory_space<semaphore_mem>>) src(%dma_wait3A_71 : memref<40x128xi32, #tpu.memory_space<hbm>>) dst(%arg9 : memref<40x128xi32, #tpu.memory_space<vmem>>)
      tpu.yield
    }) : () -> ()
    %barrier3A = arith.constant 0 : index
    tpu.barrier barrier_id(%barrier3A)
    %dma_start3A = arith.constant 0 : i32
    %dma_start3A_11 = arith.constant 0 : i32
    %dma_start3A_12 = tpu.memref_slice %arg8[%dma_start3A, %dma_start3A_11] : memref<40x128xi32, #tpu.memory_space<vmem>> -> memref<1x128xi32, #tpu.memory_space<vmem>>
    %dma_start3A_13 = tpu.memref_squeeze %dma_start3A_12 : memref<1x128xi32, #tpu.memory_space<vmem>> -> memref<128xi32, #tpu.memory_space<vmem>>
    %dma_start3A_14 = arith.constant 0 : i32
    %dma_start3A_15 = arith.constant 0 : i32
    %dma_start3A_16 = tpu.memref_slice %arg2[%dma_start3A_14, %dma_start3A_15] : memref<10240x128xf32, #tpu.memory_space<hbm>> -> memref<10240x128xf32, #tpu.memory_space<hbm>>
    tpu.enqueue_indirect_dma source(%dma_start3A_16 : memref<10240x128xf32, #tpu.memory_space<hbm>>) target(%arg10 : memref<128x128xf32, #tpu.memory_space<vmem>>) offsets(%dma_start3A_13 : memref<128xi32, #tpu.memory_space<vmem>>) semaphore(%arg12 : memref<!tpu.dma_semaphore, #tpu.memory_space<semaphore_mem>>)
    %dma_start3A_17 = arith.constant 1 : i32
    %dma_start3A_18 = arith.constant 0 : i32
    %dma_start3A_19 = tpu.memref_slice %arg8[%dma_start3A_17, %dma_start3A_18] : memref<40x128xi32, #tpu.memory_space<vmem>> -> memref<1x128xi32, #tpu.memory_space<vmem>>
    %dma_start3A_20 = tpu.memref_squeeze %dma_start3A_19 : memref<1x128xi32, #tpu.memory_space<vmem>> -> memref<128xi32, #tpu.memory_space<vmem>>
    %dma_start3A_21 = arith.constant 0 : i32
    %dma_start3A_22 = arith.constant 0 : i32
    %dma_start3A_23 = tpu.memref_slice %arg2[%dma_start3A_21, %dma_start3A_22] : memref<10240x128xf32, #tpu.memory_space<hbm>> -> memref<10240x128xf32, #tpu.memory_space<hbm>>
    tpu.enqueue_indirect_dma source(%dma_start3A_23 : memref<10240x128xf32, #tpu.memory_space<hbm>>) target(%arg11 : memref<128x128xf32, #tpu.memory_space<vmem>>) offsets(%dma_start3A_20 : memref<128xi32, #tpu.memory_space<vmem>>) semaphore(%arg13 : memref<!tpu.dma_semaphore, #tpu.memory_space<semaphore_mem>>)
    %scan3A = arith.constant 0 : i32
    %scan3A_24 = arith.constant 0 : i32
    %scan3A_25 = arith.constant 20 : i32
    %scan3A_26 = arith.addi %scan3A_24, %scan3A_25 : i32
    %scan3A_27 = arith.constant 1 : i32
    scf.for %scan3A_65 = %scan3A_24 to %scan3A_26 step %scan3A_27  : i32 {
      %mul3A_66 = arith.constant 2 : i32
      %mul3A_67 = arith.muli %mul3A_66, %scan3A_65 : i32
      %add3A_68 = arith.constant 0 : i32
      %add3A_69 = arith.addi %mul3A_67, %add3A_68 : i32
      %dma_wait3A = arith.constant 0 : i32
      %dma_wait3A_70 = tpu.memref_slice %arg8[%add3A_69, %dma_wait3A] : memref<40x128xi32, #tpu.memory_space<vmem>> -> memref<1x128xi32, #tpu.memory_space<vmem>>
      %dma_wait3A_71 = tpu.memref_squeeze %dma_wait3A_70 : memref<1x128xi32, #tpu.memory_space<vmem>> -> memref<128xi32, #tpu.memory_space<vmem>>
      %dma_wait3A_72 = arith.constant 0 : i32
      %dma_wait3A_73 = arith.constant 0 : i32
      %dma_wait3A_74 = tpu.memref_slice %arg2[%dma_wait3A_72, %dma_wait3A_73] : memref<10240x128xf32, #tpu.memory_space<hbm>> -> memref<10240x128xf32, #tpu.memory_space<hbm>>
      tpu.wait_indirect_dma semaphore(%arg12 : memref<!tpu.dma_semaphore, #tpu.memory_space<semaphore_mem>>) src(%dma_wait3A_74 : memref<10240x128xf32, #tpu.memory_space<hbm>>) dst(%arg10 : memref<128x128xf32, #tpu.memory_space<vmem>>)
      %add3A_75 = arith.constant 0 : i32
      %add3A_76 = arith.addi %mul3A_67, %add3A_75 : i32
      "tpu.region"() ({
        %run_scoped3A = tpu.sem_alloc : memref<!tpu.dma_semaphore, #tpu.memory_space<semaphore_mem>>
        %dma_start3A_104 = arith.constant 0 : i32
        %dma_start3A_105 = tpu.memref_slice %arg9[%add3A_76, %dma_start3A_104] : memref<40x128xi32, #tpu.memory_space<vmem>> -> memref<1x128xi32, #tpu.memory_space<vmem>>
        %dma_start3A_106 = tpu.memref_squeeze %dma_start3A_105 : memref<1x128xi32, #tpu.memory_space<vmem>> -> memref<128xi32, #tpu.memory_space<vmem>>
        %dma_start3A_107 = arith.constant 0 : i32
        %dma_start3A_108 = arith.constant 0 : i32
        %dma_start3A_109 = tpu.memref_slice %arg7[%dma_start3A_107, %dma_start3A_108] : memref<10240x128xf32, #tpu.memory_space<vmem_shared>> -> memref<10240x128xf32, #tpu.memory_space<vmem_shared>>
        tpu.enqueue_indirect_dma source(%arg10 : memref<128x128xf32, #tpu.memory_space<vmem>>) target(%dma_start3A_109 : memref<10240x128xf32, #tpu.memory_space<vmem_shared>>) offsets(%dma_start3A_106 : memref<128xi32, #tpu.memory_space<vmem>>) semaphore(%run_scoped3A : memref<!tpu.dma_semaphore, #tpu.memory_space<semaphore_mem>>) {add = true}
        %dma_wait3A_110 = arith.constant 0 : i32
        %dma_wait3A_111 = tpu.memref_slice %arg9[%add3A_76, %dma_wait3A_110] : memref<40x128xi32, #tpu.memory_space<vmem>> -> memref<1x128xi32, #tpu.memory_space<vmem>>
        %dma_wait3A_112 = tpu.memref_squeeze %dma_wait3A_111 : memref<1x128xi32, #tpu.memory_space<vmem>> -> memref<128xi32, #tpu.memory_space<vmem>>
        %dma_wait3A_113 = arith.constant 0 : i32
        %dma_wait3A_114 = arith.constant 0 : i32
        %dma_wait3A_115 = tpu.memref_slice %arg7[%dma_wait3A_113, %dma_wait3A_114] : memref<10240x128xf32, #tpu.memory_space<vmem_shared>> -> memref<10240x128xf32, #tpu.memory_space<vmem_shared>>
        tpu.wait_indirect_dma semaphore(%run_scoped3A : memref<!tpu.dma_semaphore, #tpu.memory_space<semaphore_mem>>) src(%arg10 : memref<128x128xf32, #tpu.memory_space<vmem>>) dst(%dma_wait3A_115 : memref<10240x128xf32, #tpu.memory_space<vmem_shared>>)
        tpu.yield
      }) : () -> ()
      %add3A_77 = arith.constant 2 : i32
      %add3A_78 = arith.addi %mul3A_67, %add3A_77 : i32
      %add3A_79 = arith.constant 0 : i32
      %add3A_80 = arith.addi %add3A_78, %add3A_79 : i32
      %lt3A = arith.constant 40 : i32
      %lt3A_81 = arith.cmpi slt, %add3A_80, %lt3A : i32
      %convert_element_type3A_82 = arith.extui %lt3A_81 : i1 to i32
      %cond3A_83 = arith.constant 0 : i32
      %cond3A_84 = arith.cmpi ne, %convert_element_type3A_82, %cond3A_83 : i32
      scf.if %cond3A_84 {
        %add3A_104 = arith.constant 2 : i32
        %add3A_105 = arith.addi %mul3A_67, %add3A_104 : i32
        %add3A_106 = arith.constant 0 : i32
        %add3A_107 = arith.addi %add3A_105, %add3A_106 : i32
        %dma_start3A_108 = arith.constant 0 : i32
        %dma_start3A_109 = tpu.memref_slice %arg8[%add3A_107, %dma_start3A_108] : memref<40x128xi32, #tpu.memory_space<vmem>> -> memref<1x128xi32, #tpu.memory_space<vmem>>
        %dma_start3A_110 = tpu.memref_squeeze %dma_start3A_109 : memref<1x128xi32, #tpu.memory_space<vmem>> -> memref<128xi32, #tpu.memory_space<vmem>>
        %dma_start3A_111 = arith.constant 0 : i32
        %dma_start3A_112 = arith.constant 0 : i32
        %dma_start3A_113 = tpu.memref_slice %arg2[%dma_start3A_111, %dma_start3A_112] : memref<10240x128xf32, #tpu.memory_space<hbm>> -> memref<10240x128xf32, #tpu.memory_space<hbm>>
        tpu.enqueue_indirect_dma source(%dma_start3A_113 : memref<10240x128xf32, #tpu.memory_space<hbm>>) target(%arg10 : memref<128x128xf32, #tpu.memory_space<vmem>>) offsets(%dma_start3A_110 : memref<128xi32, #tpu.memory_space<vmem>>) semaphore(%arg12 : memref<!tpu.dma_semaphore, #tpu.memory_space<semaphore_mem>>)
      } else {
      }
      %add3A_85 = arith.constant 1 : i32
      %add3A_86 = arith.addi %mul3A_67, %add3A_85 : i32
      %dma_wait3A_87 = arith.constant 0 : i32
      %dma_wait3A_88 = tpu.memref_slice %arg8[%add3A_86, %dma_wait3A_87] : memref<40x128xi32, #tpu.memory_space<vmem>> -> memref<1x128xi32, #tpu.memory_space<vmem>>
      %dma_wait3A_89 = tpu.memref_squeeze %dma_wait3A_88 : memref<1x128xi32, #tpu.memory_space<vmem>> -> memref<128xi32, #tpu.memory_space<vmem>>
      %dma_wait3A_90 = arith.constant 0 : i32
      %dma_wait3A_91 = arith.constant 0 : i32
      %dma_wait3A_92 = tpu.memref_slice %arg2[%dma_wait3A_90, %dma_wait3A_91] : memref<10240x128xf32, #tpu.memory_space<hbm>> -> memref<10240x128xf32, #tpu.memory_space<hbm>>
      tpu.wait_indirect_dma semaphore(%arg13 : memref<!tpu.dma_semaphore, #tpu.memory_space<semaphore_mem>>) src(%dma_wait3A_92 : memref<10240x128xf32, #tpu.memory_space<hbm>>) dst(%arg11 : memref<128x128xf32, #tpu.memory_space<vmem>>)
      %add3A_93 = arith.constant 1 : i32
      %add3A_94 = arith.addi %mul3A_67, %add3A_93 : i32
      "tpu.region"() ({
        %run_scoped3A = tpu.sem_alloc : memref<!tpu.dma_semaphore, #tpu.memory_space<semaphore_mem>>
        %dma_start3A_104 = arith.constant 0 : i32
        %dma_start3A_105 = tpu.memref_slice %arg9[%add3A_94, %dma_start3A_104] : memref<40x128xi32, #tpu.memory_space<vmem>> -> memref<1x128xi32, #tpu.memory_space<vmem>>
        %dma_start3A_106 = tpu.memref_squeeze %dma_start3A_105 : memref<1x128xi32, #tpu.memory_space<vmem>> -> memref<128xi32, #tpu.memory_space<vmem>>
        %dma_start3A_107 = arith.constant 0 : i32
        %dma_start3A_108 = arith.constant 0 : i32
        %dma_start3A_109 = tpu.memref_slice %arg7[%dma_start3A_107, %dma_start3A_108] : memref<10240x128xf32, #tpu.memory_space<vmem_shared>> -> memref<10240x128xf32, #tpu.memory_space<vmem_shared>>
        tpu.enqueue_indirect_dma source(%arg11 : memref<128x128xf32, #tpu.memory_space<vmem>>) target(%dma_start3A_109 : memref<10240x128xf32, #tpu.memory_space<vmem_shared>>) offsets(%dma_start3A_106 : memref<128xi32, #tpu.memory_space<vmem>>) semaphore(%run_scoped3A : memref<!tpu.dma_semaphore, #tpu.memory_space<semaphore_mem>>) {add = true}
        %dma_wait3A_110 = arith.constant 0 : i32
        %dma_wait3A_111 = tpu.memref_slice %arg9[%add3A_94, %dma_wait3A_110] : memref<40x128xi32, #tpu.memory_space<vmem>> -> memref<1x128xi32, #tpu.memory_space<vmem>>
        %dma_wait3A_112 = tpu.memref_squeeze %dma_wait3A_111 : memref<1x128xi32, #tpu.memory_space<vmem>> -> memref<128xi32, #tpu.memory_space<vmem>>
        %dma_wait3A_113 = arith.constant 0 : i32
        %dma_wait3A_114 = arith.constant 0 : i32
        %dma_wait3A_115 = tpu.memref_slice %arg7[%dma_wait3A_113, %dma_wait3A_114] : memref<10240x128xf32, #tpu.memory_space<vmem_shared>> -> memref<10240x128xf32, #tpu.memory_space<vmem_shared>>
        tpu.wait_indirect_dma semaphore(%run_scoped3A : memref<!tpu.dma_semaphore, #tpu.memory_space<semaphore_mem>>) src(%arg11 : memref<128x128xf32, #tpu.memory_space<vmem>>) dst(%dma_wait3A_115 : memref<10240x128xf32, #tpu.memory_space<vmem_shared>>)
        tpu.yield
      }) : () -> ()
      %add3A_95 = arith.constant 2 : i32
      %add3A_96 = arith.addi %mul3A_67, %add3A_95 : i32
      %add3A_97 = arith.constant 1 : i32
      %add3A_98 = arith.addi %add3A_96, %add3A_97 : i32
      %lt3A_99 = arith.constant 40 : i32
      %lt3A_100 = arith.cmpi slt, %add3A_98, %lt3A_99 : i32
      %convert_element_type3A_101 = arith.extui %lt3A_100 : i1 to i32
      %cond3A_102 = arith.constant 0 : i32
      %cond3A_103 = arith.cmpi ne, %convert_element_type3A_101, %cond3A_102 : i32
      scf.if %cond3A_103 {
        %add3A_104 = arith.constant 2 : i32
        %add3A_105 = arith.addi %mul3A_67, %add3A_104 : i32
        %add3A_106 = arith.constant 1 : i32
        %add3A_107 = arith.addi %add3A_105, %add3A_106 : i32
        %dma_start3A_108 = arith.constant 0 : i32
        %dma_start3A_109 = tpu.memref_slice %arg8[%add3A_107, %dma_start3A_108] : memref<40x128xi32, #tpu.memory_space<vmem>> -> memref<1x128xi32, #tpu.memory_space<vmem>>
        %dma_start3A_110 = tpu.memref_squeeze %dma_start3A_109 : memref<1x128xi32, #tpu.memory_space<vmem>> -> memref<128xi32, #tpu.memory_space<vmem>>
        %dma_start3A_111 = arith.constant 0 : i32
        %dma_start3A_112 = arith.constant 0 : i32
        %dma_start3A_113 = tpu.memref_slice %arg2[%dma_start3A_111, %dma_start3A_112] : memref<10240x128xf32, #tpu.memory_space<hbm>> -> memref<10240x128xf32, #tpu.memory_space<hbm>>
        tpu.enqueue_indirect_dma source(%dma_start3A_113 : memref<10240x128xf32, #tpu.memory_space<hbm>>) target(%arg11 : memref<128x128xf32, #tpu.memory_space<vmem>>) offsets(%dma_start3A_110 : memref<128xi32, #tpu.memory_space<vmem>>) semaphore(%arg13 : memref<!tpu.dma_semaphore, #tpu.memory_space<semaphore_mem>>)
      } else {
      }
    }
    %scan3A_28 = arith.constant 20 : i32
    %mul3A_29 = arith.constant 80 : i32
    %mul3A_30 = arith.muli %add3A, %mul3A_29 : i32
    %add3A_31 = arith.constant 40 : i32
    %add3A_32 = arith.addi %mul3A_30, %add3A_31 : i32
    "tpu.region"() ({
      %run_scoped3A = tpu.sem_alloc : memref<!tpu.dma_semaphore, #tpu.memory_space<semaphore_mem>>
      %dma_start3A_65 = arith.constant 0 : i32
      %dma_start3A_66 = tpu.memref_slice %arg3[%add3A_32, %dma_start3A_65] : memref<2560x128xi32, #tpu.memory_space<hbm>> -> memref<40x128xi32, #tpu.memory_space<hbm>>
      %dma_start3A_67 = arith.constant 0 : i32
      %dma_start3A_68 = tpu.memref_slice %arg3[%add3A_32, %dma_start3A_67] : memref<2560x128xi32, #tpu.memory_space<hbm>> -> memref<40x128xi32, #tpu.memory_space<hbm>>
      tpu.enqueue_dma source(%dma_start3A_68 : memref<40x128xi32, #tpu.memory_space<hbm>>) target(%arg8 : memref<40x128xi32, #tpu.memory_space<vmem>>) target_semaphore(%run_scoped3A : memref<!tpu.dma_semaphore, #tpu.memory_space<semaphore_mem>>)
      %dma_wait3A = arith.constant 0 : i32
      %dma_wait3A_69 = tpu.memref_slice %arg3[%add3A_32, %dma_wait3A] : memref<2560x128xi32, #tpu.memory_space<hbm>> -> memref<40x128xi32, #tpu.memory_space<hbm>>
      %dma_wait3A_70 = arith.constant 0 : i32
      %dma_wait3A_71 = tpu.memref_slice %arg3[%add3A_32, %dma_wait3A_70] : memref<2560x128xi32, #tpu.memory_space<hbm>> -> memref<40x128xi32, #tpu.memory_space<hbm>>
      tpu.wait_dma2 semaphore(%run_scoped3A : memref<!tpu.dma_semaphore, #tpu.memory_space<semaphore_mem>>) src(%dma_wait3A_71 : memref<40x128xi32, #tpu.memory_space<hbm>>) dst(%arg8 : memref<40x128xi32, #tpu.memory_space<vmem>>)
      tpu.yield
    }) : () -> ()
    %mul3A_33 = arith.constant 80 : i32
    %mul3A_34 = arith.muli %add3A, %mul3A_33 : i32
    %add3A_35 = arith.constant 40 : i32
    %add3A_36 = arith.addi %mul3A_34, %add3A_35 : i32
    "tpu.region"() ({
      %run_scoped3A = tpu.sem_alloc : memref<!tpu.dma_semaphore, #tpu.memory_space<semaphore_mem>>
      %dma_start3A_65 = arith.constant 0 : i32
      %dma_start3A_66 = tpu.memref_slice %arg4[%add3A_36, %dma_start3A_65] : memref<2560x128xi32, #tpu.memory_space<hbm>> -> memref<40x128xi32, #tpu.memory_space<hbm>>
      %dma_start3A_67 = arith.constant 0 : i32
      %dma_start3A_68 = tpu.memref_slice %arg4[%add3A_36, %dma_start3A_67] : memref<2560x128xi32, #tpu.memory_space<hbm>> -> memref<40x128xi32, #tpu.memory_space<hbm>>
      tpu.enqueue_dma source(%dma_start3A_68 : memref<40x128xi32, #tpu.memory_space<hbm>>) target(%arg9 : memref<40x128xi32, #tpu.memory_space<vmem>>) target_semaphore(%run_scoped3A : memref<!tpu.dma_semaphore, #tpu.memory_space<semaphore_mem>>)
      %dma_wait3A = arith.constant 0 : i32
      %dma_wait3A_69 = tpu.memref_slice %arg4[%add3A_36, %dma_wait3A] : memref<2560x128xi32, #tpu.memory_space<hbm>> -> memref<40x128xi32, #tpu.memory_space<hbm>>
      %dma_wait3A_70 = arith.constant 0 : i32
      %dma_wait3A_71 = tpu.memref_slice %arg4[%add3A_36, %dma_wait3A_70] : memref<2560x128xi32, #tpu.memory_space<hbm>> -> memref<40x128xi32, #tpu.memory_space<hbm>>
      tpu.wait_dma2 semaphore(%run_scoped3A : memref<!tpu.dma_semaphore, #tpu.memory_space<semaphore_mem>>) src(%dma_wait3A_71 : memref<40x128xi32, #tpu.memory_space<hbm>>) dst(%arg9 : memref<40x128xi32, #tpu.memory_space<vmem>>)
      tpu.yield
    }) : () -> ()
    %dma_start3A_37 = arith.constant 0 : i32
    %dma_start3A_38 = arith.constant 0 : i32
    %dma_start3A_39 = tpu.memref_slice %arg8[%dma_start3A_37, %dma_start3A_38] : memref<40x128xi32, #tpu.memory_space<vmem>> -> memref<1x128xi32, #tpu.memory_space<vmem>>
    %dma_start3A_40 = tpu.memref_squeeze %dma_start3A_39 : memref<1x128xi32, #tpu.memory_space<vmem>> -> memref<128xi32, #tpu.memory_space<vmem>>
    %dma_start3A_41 = arith.constant 0 : i32
    %dma_start3A_42 = arith.constant 0 : i32
    %dma_start3A_43 = tpu.memref_slice %arg2[%dma_start3A_41, %dma_start3A_42] : memref<10240x128xf32, #tpu.memory_space<hbm>> -> memref<10240x128xf32, #tpu.memory_space<hbm>>
    tpu.enqueue_indirect_dma source(%dma_start3A_43 : memref<10240x128xf32, #tpu.memory_space<hbm>>) target(%arg10 : memref<128x128xf32, #tpu.memory_space<vmem>>) offsets(%dma_start3A_40 : memref<128xi32, #tpu.memory_space<vmem>>) semaphore(%arg12 : memref<!tpu.dma_semaphore, #tpu.memory_space<semaphore_mem>>)
    %dma_start3A_44 = arith.constant 1 : i32
    %dma_start3A_45 = arith.constant 0 : i32
    %dma_start3A_46 = tpu.memref_slice %arg8[%dma_start3A_44, %dma_start3A_45] : memref<40x128xi32, #tpu.memory_space<vmem>> -> memref<1x128xi32, #tpu.memory_space<vmem>>
    %dma_start3A_47 = tpu.memref_squeeze %dma_start3A_46 : memref<1x128xi32, #tpu.memory_space<vmem>> -> memref<128xi32, #tpu.memory_space<vmem>>
    %dma_start3A_48 = arith.constant 0 : i32
    %dma_start3A_49 = arith.constant 0 : i32
    %dma_start3A_50 = tpu.memref_slice %arg2[%dma_start3A_48, %dma_start3A_49] : memref<10240x128xf32, #tpu.memory_space<hbm>> -> memref<10240x128xf32, #tpu.memory_space<hbm>>
    tpu.enqueue_indirect_dma source(%dma_start3A_50 : memref<10240x128xf32, #tpu.memory_space<hbm>>) target(%arg11 : memref<128x128xf32, #tpu.memory_space<vmem>>) offsets(%dma_start3A_47 : memref<128xi32, #tpu.memory_space<vmem>>) semaphore(%arg13 : memref<!tpu.dma_semaphore, #tpu.memory_space<semaphore_mem>>)
    %scan3A_51 = arith.constant 0 : i32
    %scan3A_52 = arith.constant 0 : i32
    %scan3A_53 = arith.constant 20 : i32
    %scan3A_54 = arith.addi %scan3A_52, %scan3A_53 : i32
    %scan3A_55 = arith.constant 1 : i32
    scf.for %scan3A_65 = %scan3A_52 to %scan3A_54 step %scan3A_55  : i32 {
      %mul3A_66 = arith.constant 2 : i32
      %mul3A_67 = arith.muli %mul3A_66, %scan3A_65 : i32
      %add3A_68 = arith.constant 0 : i32
      %add3A_69 = arith.addi %mul3A_67, %add3A_68 : i32
      %dma_wait3A = arith.constant 0 : i32
      %dma_wait3A_70 = tpu.memref_slice %arg8[%add3A_69, %dma_wait3A] : memref<40x128xi32, #tpu.memory_space<vmem>> -> memref<1x128xi32, #tpu.memory_space<vmem>>
      %dma_wait3A_71 = tpu.memref_squeeze %dma_wait3A_70 : memref<1x128xi32, #tpu.memory_space<vmem>> -> memref<128xi32, #tpu.memory_space<vmem>>
      %dma_wait3A_72 = arith.constant 0 : i32
      %dma_wait3A_73 = arith.constant 0 : i32
      %dma_wait3A_74 = tpu.memref_slice %arg2[%dma_wait3A_72, %dma_wait3A_73] : memref<10240x128xf32, #tpu.memory_space<hbm>> -> memref<10240x128xf32, #tpu.memory_space<hbm>>
      tpu.wait_indirect_dma semaphore(%arg12 : memref<!tpu.dma_semaphore, #tpu.memory_space<semaphore_mem>>) src(%dma_wait3A_74 : memref<10240x128xf32, #tpu.memory_space<hbm>>) dst(%arg10 : memref<128x128xf32, #tpu.memory_space<vmem>>)
      %add3A_75 = arith.constant 0 : i32
      %add3A_76 = arith.addi %mul3A_67, %add3A_75 : i32
      "tpu.region"() ({
        %run_scoped3A = tpu.sem_alloc : memref<!tpu.dma_semaphore, #tpu.memory_space<semaphore_mem>>
        %dma_start3A_104 = arith.constant 0 : i32
        %dma_start3A_105 = tpu.memref_slice %arg9[%add3A_76, %dma_start3A_104] : memref<40x128xi32, #tpu.memory_space<vmem>> -> memref<1x128xi32, #tpu.memory_space<vmem>>
        %dma_start3A_106 = tpu.memref_squeeze %dma_start3A_105 : memref<1x128xi32, #tpu.memory_space<vmem>> -> memref<128xi32, #tpu.memory_space<vmem>>
        %dma_start3A_107 = arith.constant 0 : i32
        %dma_start3A_108 = arith.constant 0 : i32
        %dma_start3A_109 = tpu.memref_slice %arg7[%dma_start3A_107, %dma_start3A_108] : memref<10240x128xf32, #tpu.memory_space<vmem_shared>> -> memref<10240x128xf32, #tpu.memory_space<vmem_shared>>
        tpu.enqueue_indirect_dma source(%arg10 : memref<128x128xf32, #tpu.memory_space<vmem>>) target(%dma_start3A_109 : memref<10240x128xf32, #tpu.memory_space<vmem_shared>>) offsets(%dma_start3A_106 : memref<128xi32, #tpu.memory_space<vmem>>) semaphore(%run_scoped3A : memref<!tpu.dma_semaphore, #tpu.memory_space<semaphore_mem>>) {add = true}
        %dma_wait3A_110 = arith.constant 0 : i32
        %dma_wait3A_111 = tpu.memref_slice %arg9[%add3A_76, %dma_wait3A_110] : memref<40x128xi32, #tpu.memory_space<vmem>> -> memref<1x128xi32, #tpu.memory_space<vmem>>
        %dma_wait3A_112 = tpu.memref_squeeze %dma_wait3A_111 : memref<1x128xi32, #tpu.memory_space<vmem>> -> memref<128xi32, #tpu.memory_space<vmem>>
        %dma_wait3A_113 = arith.constant 0 : i32
        %dma_wait3A_114 = arith.constant 0 : i32
        %dma_wait3A_115 = tpu.memref_slice %arg7[%dma_wait3A_113, %dma_wait3A_114] : memref<10240x128xf32, #tpu.memory_space<vmem_shared>> -> memref<10240x128xf32, #tpu.memory_space<vmem_shared>>
        tpu.wait_indirect_dma semaphore(%run_scoped3A : memref<!tpu.dma_semaphore, #tpu.memory_space<semaphore_mem>>) src(%arg10 : memref<128x128xf32, #tpu.memory_space<vmem>>) dst(%dma_wait3A_115 : memref<10240x128xf32, #tpu.memory_space<vmem_shared>>)
        tpu.yield
      }) : () -> ()
      %add3A_77 = arith.constant 2 : i32
      %add3A_78 = arith.addi %mul3A_67, %add3A_77 : i32
      %add3A_79 = arith.constant 0 : i32
      %add3A_80 = arith.addi %add3A_78, %add3A_79 : i32
      %lt3A = arith.constant 40 : i32
      %lt3A_81 = arith.cmpi slt, %add3A_80, %lt3A : i32
      %convert_element_type3A_82 = arith.extui %lt3A_81 : i1 to i32
      %cond3A_83 = arith.constant 0 : i32
      %cond3A_84 = arith.cmpi ne, %convert_element_type3A_82, %cond3A_83 : i32
      scf.if %cond3A_84 {
        %add3A_104 = arith.constant 2 : i32
        %add3A_105 = arith.addi %mul3A_67, %add3A_104 : i32
        %add3A_106 = arith.constant 0 : i32
        %add3A_107 = arith.addi %add3A_105, %add3A_106 : i32
        %dma_start3A_108 = arith.constant 0 : i32
        %dma_start3A_109 = tpu.memref_slice %arg8[%add3A_107, %dma_start3A_108] : memref<40x128xi32, #tpu.memory_space<vmem>> -> memref<1x128xi32, #tpu.memory_space<vmem>>
        %dma_start3A_110 = tpu.memref_squeeze %dma_start3A_109 : memref<1x128xi32, #tpu.memory_space<vmem>> -> memref<128xi32, #tpu.memory_space<vmem>>
        %dma_start3A_111 = arith.constant 0 : i32
        %dma_start3A_112 = arith.constant 0 : i32
        %dma_start3A_113 = tpu.memref_slice %arg2[%dma_start3A_111, %dma_start3A_112] : memref<10240x128xf32, #tpu.memory_space<hbm>> -> memref<10240x128xf32, #tpu.memory_space<hbm>>
        tpu.enqueue_indirect_dma source(%dma_start3A_113 : memref<10240x128xf32, #tpu.memory_space<hbm>>) target(%arg10 : memref<128x128xf32, #tpu.memory_space<vmem>>) offsets(%dma_start3A_110 : memref<128xi32, #tpu.memory_space<vmem>>) semaphore(%arg12 : memref<!tpu.dma_semaphore, #tpu.memory_space<semaphore_mem>>)
      } else {
      }
      %add3A_85 = arith.constant 1 : i32
      %add3A_86 = arith.addi %mul3A_67, %add3A_85 : i32
      %dma_wait3A_87 = arith.constant 0 : i32
      %dma_wait3A_88 = tpu.memref_slice %arg8[%add3A_86, %dma_wait3A_87] : memref<40x128xi32, #tpu.memory_space<vmem>> -> memref<1x128xi32, #tpu.memory_space<vmem>>
      %dma_wait3A_89 = tpu.memref_squeeze %dma_wait3A_88 : memref<1x128xi32, #tpu.memory_space<vmem>> -> memref<128xi32, #tpu.memory_space<vmem>>
      %dma_wait3A_90 = arith.constant 0 : i32
      %dma_wait3A_91 = arith.constant 0 : i32
      %dma_wait3A_92 = tpu.memref_slice %arg2[%dma_wait3A_90, %dma_wait3A_91] : memref<10240x128xf32, #tpu.memory_space<hbm>> -> memref<10240x128xf32, #tpu.memory_space<hbm>>
      tpu.wait_indirect_dma semaphore(%arg13 : memref<!tpu.dma_semaphore, #tpu.memory_space<semaphore_mem>>) src(%dma_wait3A_92 : memref<10240x128xf32, #tpu.memory_space<hbm>>) dst(%arg11 : memref<128x128xf32, #tpu.memory_space<vmem>>)
      %add3A_93 = arith.constant 1 : i32
      %add3A_94 = arith.addi %mul3A_67, %add3A_93 : i32
      "tpu.region"() ({
        %run_scoped3A = tpu.sem_alloc : memref<!tpu.dma_semaphore, #tpu.memory_space<semaphore_mem>>
        %dma_start3A_104 = arith.constant 0 : i32
        %dma_start3A_105 = tpu.memref_slice %arg9[%add3A_94, %dma_start3A_104] : memref<40x128xi32, #tpu.memory_space<vmem>> -> memref<1x128xi32, #tpu.memory_space<vmem>>
        %dma_start3A_106 = tpu.memref_squeeze %dma_start3A_105 : memref<1x128xi32, #tpu.memory_space<vmem>> -> memref<128xi32, #tpu.memory_space<vmem>>
        %dma_start3A_107 = arith.constant 0 : i32
        %dma_start3A_108 = arith.constant 0 : i32
        %dma_start3A_109 = tpu.memref_slice %arg7[%dma_start3A_107, %dma_start3A_108] : memref<10240x128xf32, #tpu.memory_space<vmem_shared>> -> memref<10240x128xf32, #tpu.memory_space<vmem_shared>>
        tpu.enqueue_indirect_dma source(%arg11 : memref<128x128xf32, #tpu.memory_space<vmem>>) target(%dma_start3A_109 : memref<10240x128xf32, #tpu.memory_space<vmem_shared>>) offsets(%dma_start3A_106 : memref<128xi32, #tpu.memory_space<vmem>>) semaphore(%run_scoped3A : memref<!tpu.dma_semaphore, #tpu.memory_space<semaphore_mem>>) {add = true}
        %dma_wait3A_110 = arith.constant 0 : i32
        %dma_wait3A_111 = tpu.memref_slice %arg9[%add3A_94, %dma_wait3A_110] : memref<40x128xi32, #tpu.memory_space<vmem>> -> memref<1x128xi32, #tpu.memory_space<vmem>>
        %dma_wait3A_112 = tpu.memref_squeeze %dma_wait3A_111 : memref<1x128xi32, #tpu.memory_space<vmem>> -> memref<128xi32, #tpu.memory_space<vmem>>
        %dma_wait3A_113 = arith.constant 0 : i32
        %dma_wait3A_114 = arith.constant 0 : i32
        %dma_wait3A_115 = tpu.memref_slice %arg7[%dma_wait3A_113, %dma_wait3A_114] : memref<10240x128xf32, #tpu.memory_space<vmem_shared>> -> memref<10240x128xf32, #tpu.memory_space<vmem_shared>>
        tpu.wait_indirect_dma semaphore(%run_scoped3A : memref<!tpu.dma_semaphore, #tpu.memory_space<semaphore_mem>>) src(%arg11 : memref<128x128xf32, #tpu.memory_space<vmem>>) dst(%dma_wait3A_115 : memref<10240x128xf32, #tpu.memory_space<vmem_shared>>)
        tpu.yield
      }) : () -> ()
      %add3A_95 = arith.constant 2 : i32
      %add3A_96 = arith.addi %mul3A_67, %add3A_95 : i32
      %add3A_97 = arith.constant 1 : i32
      %add3A_98 = arith.addi %add3A_96, %add3A_97 : i32
      %lt3A_99 = arith.constant 40 : i32
      %lt3A_100 = arith.cmpi slt, %add3A_98, %lt3A_99 : i32
      %convert_element_type3A_101 = arith.extui %lt3A_100 : i1 to i32
      %cond3A_102 = arith.constant 0 : i32
      %cond3A_103 = arith.cmpi ne, %convert_element_type3A_101, %cond3A_102 : i32
      scf.if %cond3A_103 {
        %add3A_104 = arith.constant 2 : i32
        %add3A_105 = arith.addi %mul3A_67, %add3A_104 : i32
        %add3A_106 = arith.constant 1 : i32
        %add3A_107 = arith.addi %add3A_105, %add3A_106 : i32
        %dma_start3A_108 = arith.constant 0 : i32
        %dma_start3A_109 = tpu.memref_slice %arg8[%add3A_107, %dma_start3A_108] : memref<40x128xi32, #tpu.memory_space<vmem>> -> memref<1x128xi32, #tpu.memory_space<vmem>>
        %dma_start3A_110 = tpu.memref_squeeze %dma_start3A_109 : memref<1x128xi32, #tpu.memory_space<vmem>> -> memref<128xi32, #tpu.memory_space<vmem>>
        %dma_start3A_111 = arith.constant 0 : i32
        %dma_start3A_112 = arith.constant 0 : i32
        %dma_start3A_113 = tpu.memref_slice %arg2[%dma_start3A_111, %dma_start3A_112] : memref<10240x128xf32, #tpu.memory_space<hbm>> -> memref<10240x128xf32, #tpu.memory_space<hbm>>
        tpu.enqueue_indirect_dma source(%dma_start3A_113 : memref<10240x128xf32, #tpu.memory_space<hbm>>) target(%arg11 : memref<128x128xf32, #tpu.memory_space<vmem>>) offsets(%dma_start3A_110 : memref<128xi32, #tpu.memory_space<vmem>>) semaphore(%arg13 : memref<!tpu.dma_semaphore, #tpu.memory_space<semaphore_mem>>)
      } else {
      }
    }
    %scan3A_56 = arith.constant 20 : i32
    %barrier3A_57 = arith.constant 0 : index
    tpu.barrier barrier_id(%barrier3A_57)
    %eq3A = arith.constant 0 : i32
    %eq3A_58 = arith.cmpi eq, %arg0, %eq3A : i32
    %convert_element_type3A = arith.extui %eq3A_58 : i1 to i32
    %cond3A = arith.constant 0 : i32
    %cond3A_59 = arith.cmpi ne, %convert_element_type3A, %cond3A : i32
    scf.if %cond3A_59 {
      "tpu.region"() ({
        %run_scoped3A = tpu.sem_alloc : memref<!tpu.dma_semaphore, #tpu.memory_space<semaphore_mem>>
        %dma_start3A_65 = arith.constant 0 : i32
        %dma_start3A_66 = tpu.memref_slice %arg5[%mul3A_2, %dma_start3A_65] : memref<10240x128xf32, #tpu.memory_space<hbm>> -> memref<640x128xf32, #tpu.memory_space<hbm>>
        %dma_start3A_67 = arith.constant 0 : i32
        %dma_start3A_68 = tpu.memref_slice %arg7[%mul3A_2, %dma_start3A_67] : memref<10240x128xf32, #tpu.memory_space<vmem_shared>> -> memref<640x128xf32, #tpu.memory_space<vmem_shared>>
        tpu.enqueue_dma source(%dma_start3A_68 : memref<640x128xf32, #tpu.memory_space<vmem_shared>>) target(%dma_start3A_66 : memref<640x128xf32, #tpu.memory_space<hbm>>) target_semaphore(%run_scoped3A : memref<!tpu.dma_semaphore, #tpu.memory_space<semaphore_mem>>)
        %dma_wait3A = arith.constant 0 : i32
        %dma_wait3A_69 = tpu.memref_slice %arg5[%mul3A_2, %dma_wait3A] : memref<10240x128xf32, #tpu.memory_space<hbm>> -> memref<640x128xf32, #tpu.memory_space<hbm>>
        %dma_wait3A_70 = arith.constant 0 : i32
        %dma_wait3A_71 = tpu.memref_slice %arg7[%mul3A_2, %dma_wait3A_70] : memref<10240x128xf32, #tpu.memory_space<vmem_shared>> -> memref<640x128xf32, #tpu.memory_space<vmem_shared>>
        tpu.wait_dma2 semaphore(%run_scoped3A : memref<!tpu.dma_semaphore, #tpu.memory_space<semaphore_mem>>) src(%dma_wait3A_71 : memref<640x128xf32, #tpu.memory_space<vmem_shared>>) dst(%dma_wait3A_69 : memref<640x128xf32, #tpu.memory_space<hbm>>)
        tpu.yield
      }) : () -> ()
    } else {
    }
    %eq3A_60 = arith.constant 1 : i32
    %eq3A_61 = arith.cmpi eq, %arg0, %eq3A_60 : i32
    %convert_element_type3A_62 = arith.extui %eq3A_61 : i1 to i32
    %cond3A_63 = arith.constant 0 : i32
    %cond3A_64 = arith.cmpi ne, %convert_element_type3A_62, %cond3A_63 : i32
    scf.if %cond3A_64 {
      "tpu.region"() ({
        %run_scoped3A = tpu.sem_alloc : memref<!tpu.dma_semaphore, #tpu.memory_space<semaphore_mem>>
        %dma_start3A_65 = arith.constant 0 : i32
        %dma_start3A_66 = tpu.memref_slice %arg6[%mul3A_2, %dma_start3A_65] : memref<10240x128xf32, #tpu.memory_space<hbm>> -> memref<640x128xf32, #tpu.memory_space<hbm>>
        %dma_start3A_67 = arith.constant 0 : i32
        %dma_start3A_68 = tpu.memref_slice %arg7[%mul3A_2, %dma_start3A_67] : memref<10240x128xf32, #tpu.memory_space<vmem_shared>> -> memref<640x128xf32, #tpu.memory_space<vmem_shared>>
        tpu.enqueue_dma source(%dma_start3A_68 : memref<640x128xf32, #tpu.memory_space<vmem_shared>>) target(%dma_start3A_66 : memref<640x128xf32, #tpu.memory_space<hbm>>) target_semaphore(%run_scoped3A : memref<!tpu.dma_semaphore, #tpu.memory_space<semaphore_mem>>)
        %dma_wait3A = arith.constant 0 : i32
        %dma_wait3A_69 = tpu.memref_slice %arg6[%mul3A_2, %dma_wait3A] : memref<10240x128xf32, #tpu.memory_space<hbm>> -> memref<640x128xf32, #tpu.memory_space<hbm>>
        %dma_wait3A_70 = arith.constant 0 : i32
        %dma_wait3A_71 = tpu.memref_slice %arg7[%mul3A_2, %dma_wait3A_70] : memref<10240x128xf32, #tpu.memory_space<vmem_shared>> -> memref<640x128xf32, #tpu.memory_space<vmem_shared>>
        tpu.wait_dma2 semaphore(%run_scoped3A : memref<!tpu.dma_semaphore, #tpu.memory_space<semaphore_mem>>) src(%dma_wait3A_71 : memref<640x128xf32, #tpu.memory_space<vmem_shared>>) dst(%dma_wait3A_69 : memref<640x128xf32, #tpu.memory_space<hbm>>)
        tpu.yield
      }) : () -> ()
    } else {
    }
    return
  }
}

#map = affine_map<(d0, d1) -> (0, 0)>
module attributes {stable_mosaic.version = 14 : i64} {
  func.func @_agg_body(%arg0: i32, %arg1: i32, %arg2: memref<10240x128xf32, #tpu.memory_space<hbm>>, %arg3: memref<2560x128xi32, #tpu.memory_space<hbm>>, %arg4: memref<2560x128xi32, #tpu.memory_space<hbm>>, %arg5: memref<10240x128xf32, #tpu.memory_space<hbm>>, %arg6: memref<10240x128xf32, #tpu.memory_space<hbm>>, %arg7: memref<10240x128xf32, #tpu.memory_space<vmem_shared>>, %arg8: memref<40x128xi32, #tpu.memory_space<vmem>>, %arg9: memref<40x128xi32, #tpu.memory_space<vmem>>, %arg10: memref<128x128xf32, #tpu.memory_space<vmem>>, %arg11: memref<128x128xf32, #tpu.memory_space<vmem>>, %arg12: memref<!tpu.dma_semaphore, #tpu.memory_space<semaphore_mem>>, %arg13: memref<!tpu.dma_semaphore, #tpu.memory_space<semaphore_mem>>) attributes {dimension_semantics = [#tpu.dimension_semantics<core_parallel>, #tpu.dimension_semantics<subcore_parallel>], iteration_bounds = array<i64: 2, 16>, scalar_prefetch = 0 : i64, scratch_operands = 7 : i64, tpu.core_type = #tpu.core_type<sc_vector_subcore>, window_params = [{transform_indices = #map}, {transform_indices = #map}, {transform_indices = #map}, {transform_indices = #map}, {transform_indices = #map}]} {
    %mul3A = arith.constant 16 : i32
    %mul3A_0 = arith.muli %arg0, %mul3A : i32
    %add3A = arith.addi %mul3A_0, %arg1 : i32
    %mul3A_1 = arith.constant 640 : i32
    %mul3A_2 = arith.muli %arg1, %mul3A_1 : i32
    "tpu.region"() ({
      %run_scoped3A = tpu.sem_alloc : memref<!tpu.dma_semaphore, #tpu.memory_space<semaphore_mem>>
      %dma_start3A_65 = arith.constant 0 : i32
      %dma_start3A_66 = tpu.memref_slice %arg7[%mul3A_2, %dma_start3A_65] : memref<10240x128xf32, #tpu.memory_space<vmem_shared>> -> memref<640x128xf32, #tpu.memory_space<vmem_shared>>
      %dma_start3A_67 = arith.constant 0 : i32
      %dma_start3A_68 = tpu.memref_slice %arg2[%mul3A_2, %dma_start3A_67] : memref<10240x128xf32, #tpu.memory_space<hbm>> -> memref<640x128xf32, #tpu.memory_space<hbm>>
      tpu.enqueue_dma source(%dma_start3A_68 : memref<640x128xf32, #tpu.memory_space<hbm>>) target(%dma_start3A_66 : memref<640x128xf32, #tpu.memory_space<vmem_shared>>) target_semaphore(%run_scoped3A : memref<!tpu.dma_semaphore, #tpu.memory_space<semaphore_mem>>)
      %dma_wait3A = arith.constant 0 : i32
      %dma_wait3A_69 = tpu.memref_slice %arg7[%mul3A_2, %dma_wait3A] : memref<10240x128xf32, #tpu.memory_space<vmem_shared>> -> memref<640x128xf32, #tpu.memory_space<vmem_shared>>
      %dma_wait3A_70 = arith.constant 0 : i32
      %dma_wait3A_71 = tpu.memref_slice %arg2[%mul3A_2, %dma_wait3A_70] : memref<10240x128xf32, #tpu.memory_space<hbm>> -> memref<640x128xf32, #tpu.memory_space<hbm>>
      tpu.wait_dma2 semaphore(%run_scoped3A : memref<!tpu.dma_semaphore, #tpu.memory_space<semaphore_mem>>) src(%dma_wait3A_71 : memref<640x128xf32, #tpu.memory_space<hbm>>) dst(%dma_wait3A_69 : memref<640x128xf32, #tpu.memory_space<vmem_shared>>)
      tpu.yield
    }) : () -> ()
    %mul3A_3 = arith.constant 80 : i32
    %mul3A_4 = arith.muli %add3A, %mul3A_3 : i32
    %add3A_5 = arith.constant 0 : i32
    %add3A_6 = arith.addi %mul3A_4, %add3A_5 : i32
    "tpu.region"() ({
      %run_scoped3A = tpu.sem_alloc : memref<!tpu.dma_semaphore, #tpu.memory_space<semaphore_mem>>
      %dma_start3A_65 = arith.constant 0 : i32
      %dma_start3A_66 = tpu.memref_slice %arg3[%add3A_6, %dma_start3A_65] : memref<2560x128xi32, #tpu.memory_space<hbm>> -> memref<40x128xi32, #tpu.memory_space<hbm>>
      %dma_start3A_67 = arith.constant 0 : i32
      %dma_start3A_68 = tpu.memref_slice %arg3[%add3A_6, %dma_start3A_67] : memref<2560x128xi32, #tpu.memory_space<hbm>> -> memref<40x128xi32, #tpu.memory_space<hbm>>
      tpu.enqueue_dma source(%dma_start3A_68 : memref<40x128xi32, #tpu.memory_space<hbm>>) target(%arg8 : memref<40x128xi32, #tpu.memory_space<vmem>>) target_semaphore(%run_scoped3A : memref<!tpu.dma_semaphore, #tpu.memory_space<semaphore_mem>>)
      %dma_wait3A = arith.constant 0 : i32
      %dma_wait3A_69 = tpu.memref_slice %arg3[%add3A_6, %dma_wait3A] : memref<2560x128xi32, #tpu.memory_space<hbm>> -> memref<40x128xi32, #tpu.memory_space<hbm>>
      %dma_wait3A_70 = arith.constant 0 : i32
      %dma_wait3A_71 = tpu.memref_slice %arg3[%add3A_6, %dma_wait3A_70] : memref<2560x128xi32, #tpu.memory_space<hbm>> -> memref<40x128xi32, #tpu.memory_space<hbm>>
      tpu.wait_dma2 semaphore(%run_scoped3A : memref<!tpu.dma_semaphore, #tpu.memory_space<semaphore_mem>>) src(%dma_wait3A_71 : memref<40x128xi32, #tpu.memory_space<hbm>>) dst(%arg8 : memref<40x128xi32, #tpu.memory_space<vmem>>)
      tpu.yield
    }) : () -> ()
    %mul3A_7 = arith.constant 80 : i32
    %mul3A_8 = arith.muli %add3A, %mul3A_7 : i32
    %add3A_9 = arith.constant 0 : i32
    %add3A_10 = arith.addi %mul3A_8, %add3A_9 : i32
    "tpu.region"() ({
      %run_scoped3A = tpu.sem_alloc : memref<!tpu.dma_semaphore, #tpu.memory_space<semaphore_mem>>
      %dma_start3A_65 = arith.constant 0 : i32
      %dma_start3A_66 = tpu.memref_slice %arg4[%add3A_10, %dma_start3A_65] : memref<2560x128xi32, #tpu.memory_space<hbm>> -> memref<40x128xi32, #tpu.memory_space<hbm>>
      %dma_start3A_67 = arith.constant 0 : i32
      %dma_start3A_68 = tpu.memref_slice %arg4[%add3A_10, %dma_start3A_67] : memref<2560x128xi32, #tpu.memory_space<hbm>> -> memref<40x128xi32, #tpu.memory_space<hbm>>
      tpu.enqueue_dma source(%dma_start3A_68 : memref<40x128xi32, #tpu.memory_space<hbm>>) target(%arg9 : memref<40x128xi32, #tpu.memory_space<vmem>>) target_semaphore(%run_scoped3A : memref<!tpu.dma_semaphore, #tpu.memory_space<semaphore_mem>>)
      %dma_wait3A = arith.constant 0 : i32
      %dma_wait3A_69 = tpu.memref_slice %arg4[%add3A_10, %dma_wait3A] : memref<2560x128xi32, #tpu.memory_space<hbm>> -> memref<40x128xi32, #tpu.memory_space<hbm>>
      %dma_wait3A_70 = arith.constant 0 : i32
      %dma_wait3A_71 = tpu.memref_slice %arg4[%add3A_10, %dma_wait3A_70] : memref<2560x128xi32, #tpu.memory_space<hbm>> -> memref<40x128xi32, #tpu.memory_space<hbm>>
      tpu.wait_dma2 semaphore(%run_scoped3A : memref<!tpu.dma_semaphore, #tpu.memory_space<semaphore_mem>>) src(%dma_wait3A_71 : memref<40x128xi32, #tpu.memory_space<hbm>>) dst(%arg9 : memref<40x128xi32, #tpu.memory_space<vmem>>)
      tpu.yield
    }) : () -> ()
    %barrier3A = arith.constant 0 : index
    tpu.barrier barrier_id(%barrier3A)
    %dma_start3A = arith.constant 0 : i32
    %dma_start3A_11 = arith.constant 0 : i32
    %dma_start3A_12 = tpu.memref_slice %arg8[%dma_start3A, %dma_start3A_11] : memref<40x128xi32, #tpu.memory_space<vmem>> -> memref<1x128xi32, #tpu.memory_space<vmem>>
    %dma_start3A_13 = tpu.memref_squeeze %dma_start3A_12 : memref<1x128xi32, #tpu.memory_space<vmem>> -> memref<128xi32, #tpu.memory_space<vmem>>
    %dma_start3A_14 = arith.constant 0 : i32
    %dma_start3A_15 = arith.constant 0 : i32
    %dma_start3A_16 = tpu.memref_slice %arg2[%dma_start3A_14, %dma_start3A_15] : memref<10240x128xf32, #tpu.memory_space<hbm>> -> memref<10240x128xf32, #tpu.memory_space<hbm>>
    tpu.enqueue_indirect_dma source(%dma_start3A_16 : memref<10240x128xf32, #tpu.memory_space<hbm>>) target(%arg10 : memref<128x128xf32, #tpu.memory_space<vmem>>) offsets(%dma_start3A_13 : memref<128xi32, #tpu.memory_space<vmem>>) semaphore(%arg12 : memref<!tpu.dma_semaphore, #tpu.memory_space<semaphore_mem>>)
    %dma_start3A_17 = arith.constant 1 : i32
    %dma_start3A_18 = arith.constant 0 : i32
    %dma_start3A_19 = tpu.memref_slice %arg8[%dma_start3A_17, %dma_start3A_18] : memref<40x128xi32, #tpu.memory_space<vmem>> -> memref<1x128xi32, #tpu.memory_space<vmem>>
    %dma_start3A_20 = tpu.memref_squeeze %dma_start3A_19 : memref<1x128xi32, #tpu.memory_space<vmem>> -> memref<128xi32, #tpu.memory_space<vmem>>
    %dma_start3A_21 = arith.constant 0 : i32
    %dma_start3A_22 = arith.constant 0 : i32
    %dma_start3A_23 = tpu.memref_slice %arg2[%dma_start3A_21, %dma_start3A_22] : memref<10240x128xf32, #tpu.memory_space<hbm>> -> memref<10240x128xf32, #tpu.memory_space<hbm>>
    tpu.enqueue_indirect_dma source(%dma_start3A_23 : memref<10240x128xf32, #tpu.memory_space<hbm>>) target(%arg11 : memref<128x128xf32, #tpu.memory_space<vmem>>) offsets(%dma_start3A_20 : memref<128xi32, #tpu.memory_space<vmem>>) semaphore(%arg13 : memref<!tpu.dma_semaphore, #tpu.memory_space<semaphore_mem>>)
    %scan3A = arith.constant 0 : i32
    %scan3A_24 = arith.constant 0 : i32
    %scan3A_25 = arith.constant 20 : i32
    %scan3A_26 = arith.addi %scan3A_24, %scan3A_25 : i32
    %scan3A_27 = arith.constant 1 : i32
    scf.for %scan3A_65 = %scan3A_24 to %scan3A_26 step %scan3A_27  : i32 {
      %mul3A_66 = arith.constant 2 : i32
      %mul3A_67 = arith.muli %mul3A_66, %scan3A_65 : i32
      %add3A_68 = arith.constant 0 : i32
      %add3A_69 = arith.addi %mul3A_67, %add3A_68 : i32
      %dma_wait3A = arith.constant 0 : i32
      %dma_wait3A_70 = tpu.memref_slice %arg8[%add3A_69, %dma_wait3A] : memref<40x128xi32, #tpu.memory_space<vmem>> -> memref<1x128xi32, #tpu.memory_space<vmem>>
      %dma_wait3A_71 = tpu.memref_squeeze %dma_wait3A_70 : memref<1x128xi32, #tpu.memory_space<vmem>> -> memref<128xi32, #tpu.memory_space<vmem>>
      %dma_wait3A_72 = arith.constant 0 : i32
      %dma_wait3A_73 = arith.constant 0 : i32
      %dma_wait3A_74 = tpu.memref_slice %arg2[%dma_wait3A_72, %dma_wait3A_73] : memref<10240x128xf32, #tpu.memory_space<hbm>> -> memref<10240x128xf32, #tpu.memory_space<hbm>>
      tpu.wait_indirect_dma semaphore(%arg12 : memref<!tpu.dma_semaphore, #tpu.memory_space<semaphore_mem>>) src(%dma_wait3A_74 : memref<10240x128xf32, #tpu.memory_space<hbm>>) dst(%arg10 : memref<128x128xf32, #tpu.memory_space<vmem>>)
      %add3A_75 = arith.constant 0 : i32
      %add3A_76 = arith.addi %mul3A_67, %add3A_75 : i32
      "tpu.region"() ({
        %run_scoped3A = tpu.sem_alloc : memref<!tpu.dma_semaphore, #tpu.memory_space<semaphore_mem>>
        %dma_start3A_104 = arith.constant 0 : i32
        %dma_start3A_105 = tpu.memref_slice %arg9[%add3A_76, %dma_start3A_104] : memref<40x128xi32, #tpu.memory_space<vmem>> -> memref<1x128xi32, #tpu.memory_space<vmem>>
        %dma_start3A_106 = tpu.memref_squeeze %dma_start3A_105 : memref<1x128xi32, #tpu.memory_space<vmem>> -> memref<128xi32, #tpu.memory_space<vmem>>
        %dma_start3A_107 = arith.constant 0 : i32
        %dma_start3A_108 = arith.constant 0 : i32
        %dma_start3A_109 = tpu.memref_slice %arg7[%dma_start3A_107, %dma_start3A_108] : memref<10240x128xf32, #tpu.memory_space<vmem_shared>> -> memref<10240x128xf32, #tpu.memory_space<vmem_shared>>
        tpu.enqueue_indirect_dma source(%arg10 : memref<128x128xf32, #tpu.memory_space<vmem>>) target(%dma_start3A_109 : memref<10240x128xf32, #tpu.memory_space<vmem_shared>>) offsets(%dma_start3A_106 : memref<128xi32, #tpu.memory_space<vmem>>) semaphore(%run_scoped3A : memref<!tpu.dma_semaphore, #tpu.memory_space<semaphore_mem>>) {add = true}
        %dma_wait3A_110 = arith.constant 0 : i32
        %dma_wait3A_111 = tpu.memref_slice %arg9[%add3A_76, %dma_wait3A_110] : memref<40x128xi32, #tpu.memory_space<vmem>> -> memref<1x128xi32, #tpu.memory_space<vmem>>
        %dma_wait3A_112 = tpu.memref_squeeze %dma_wait3A_111 : memref<1x128xi32, #tpu.memory_space<vmem>> -> memref<128xi32, #tpu.memory_space<vmem>>
        %dma_wait3A_113 = arith.constant 0 : i32
        %dma_wait3A_114 = arith.constant 0 : i32
        %dma_wait3A_115 = tpu.memref_slice %arg7[%dma_wait3A_113, %dma_wait3A_114] : memref<10240x128xf32, #tpu.memory_space<vmem_shared>> -> memref<10240x128xf32, #tpu.memory_space<vmem_shared>>
        tpu.wait_indirect_dma semaphore(%run_scoped3A : memref<!tpu.dma_semaphore, #tpu.memory_space<semaphore_mem>>) src(%arg10 : memref<128x128xf32, #tpu.memory_space<vmem>>) dst(%dma_wait3A_115 : memref<10240x128xf32, #tpu.memory_space<vmem_shared>>)
        tpu.yield
      }) : () -> ()
      %add3A_77 = arith.constant 2 : i32
      %add3A_78 = arith.addi %mul3A_67, %add3A_77 : i32
      %add3A_79 = arith.constant 0 : i32
      %add3A_80 = arith.addi %add3A_78, %add3A_79 : i32
      %lt3A = arith.constant 40 : i32
      %lt3A_81 = arith.cmpi slt, %add3A_80, %lt3A : i32
      %convert_element_type3A_82 = arith.extui %lt3A_81 : i1 to i32
      %cond3A_83 = arith.constant 0 : i32
      %cond3A_84 = arith.cmpi ne, %convert_element_type3A_82, %cond3A_83 : i32
      scf.if %cond3A_84 {
        %add3A_104 = arith.constant 2 : i32
        %add3A_105 = arith.addi %mul3A_67, %add3A_104 : i32
        %add3A_106 = arith.constant 0 : i32
        %add3A_107 = arith.addi %add3A_105, %add3A_106 : i32
        %dma_start3A_108 = arith.constant 0 : i32
        %dma_start3A_109 = tpu.memref_slice %arg8[%add3A_107, %dma_start3A_108] : memref<40x128xi32, #tpu.memory_space<vmem>> -> memref<1x128xi32, #tpu.memory_space<vmem>>
        %dma_start3A_110 = tpu.memref_squeeze %dma_start3A_109 : memref<1x128xi32, #tpu.memory_space<vmem>> -> memref<128xi32, #tpu.memory_space<vmem>>
        %dma_start3A_111 = arith.constant 0 : i32
        %dma_start3A_112 = arith.constant 0 : i32
        %dma_start3A_113 = tpu.memref_slice %arg2[%dma_start3A_111, %dma_start3A_112] : memref<10240x128xf32, #tpu.memory_space<hbm>> -> memref<10240x128xf32, #tpu.memory_space<hbm>>
        tpu.enqueue_indirect_dma source(%dma_start3A_113 : memref<10240x128xf32, #tpu.memory_space<hbm>>) target(%arg10 : memref<128x128xf32, #tpu.memory_space<vmem>>) offsets(%dma_start3A_110 : memref<128xi32, #tpu.memory_space<vmem>>) semaphore(%arg12 : memref<!tpu.dma_semaphore, #tpu.memory_space<semaphore_mem>>)
      } else {
      }
      %add3A_85 = arith.constant 1 : i32
      %add3A_86 = arith.addi %mul3A_67, %add3A_85 : i32
      %dma_wait3A_87 = arith.constant 0 : i32
      %dma_wait3A_88 = tpu.memref_slice %arg8[%add3A_86, %dma_wait3A_87] : memref<40x128xi32, #tpu.memory_space<vmem>> -> memref<1x128xi32, #tpu.memory_space<vmem>>
      %dma_wait3A_89 = tpu.memref_squeeze %dma_wait3A_88 : memref<1x128xi32, #tpu.memory_space<vmem>> -> memref<128xi32, #tpu.memory_space<vmem>>
      %dma_wait3A_90 = arith.constant 0 : i32
      %dma_wait3A_91 = arith.constant 0 : i32
      %dma_wait3A_92 = tpu.memref_slice %arg2[%dma_wait3A_90, %dma_wait3A_91] : memref<10240x128xf32, #tpu.memory_space<hbm>> -> memref<10240x128xf32, #tpu.memory_space<hbm>>
      tpu.wait_indirect_dma semaphore(%arg13 : memref<!tpu.dma_semaphore, #tpu.memory_space<semaphore_mem>>) src(%dma_wait3A_92 : memref<10240x128xf32, #tpu.memory_space<hbm>>) dst(%arg11 : memref<128x128xf32, #tpu.memory_space<vmem>>)
      %add3A_93 = arith.constant 1 : i32
      %add3A_94 = arith.addi %mul3A_67, %add3A_93 : i32
      "tpu.region"() ({
        %run_scoped3A = tpu.sem_alloc : memref<!tpu.dma_semaphore, #tpu.memory_space<semaphore_mem>>
        %dma_start3A_104 = arith.constant 0 : i32
        %dma_start3A_105 = tpu.memref_slice %arg9[%add3A_94, %dma_start3A_104] : memref<40x128xi32, #tpu.memory_space<vmem>> -> memref<1x128xi32, #tpu.memory_space<vmem>>
        %dma_start3A_106 = tpu.memref_squeeze %dma_start3A_105 : memref<1x128xi32, #tpu.memory_space<vmem>> -> memref<128xi32, #tpu.memory_space<vmem>>
        %dma_start3A_107 = arith.constant 0 : i32
        %dma_start3A_108 = arith.constant 0 : i32
        %dma_start3A_109 = tpu.memref_slice %arg7[%dma_start3A_107, %dma_start3A_108] : memref<10240x128xf32, #tpu.memory_space<vmem_shared>> -> memref<10240x128xf32, #tpu.memory_space<vmem_shared>>
        tpu.enqueue_indirect_dma source(%arg11 : memref<128x128xf32, #tpu.memory_space<vmem>>) target(%dma_start3A_109 : memref<10240x128xf32, #tpu.memory_space<vmem_shared>>) offsets(%dma_start3A_106 : memref<128xi32, #tpu.memory_space<vmem>>) semaphore(%run_scoped3A : memref<!tpu.dma_semaphore, #tpu.memory_space<semaphore_mem>>) {add = true}
        %dma_wait3A_110 = arith.constant 0 : i32
        %dma_wait3A_111 = tpu.memref_slice %arg9[%add3A_94, %dma_wait3A_110] : memref<40x128xi32, #tpu.memory_space<vmem>> -> memref<1x128xi32, #tpu.memory_space<vmem>>
        %dma_wait3A_112 = tpu.memref_squeeze %dma_wait3A_111 : memref<1x128xi32, #tpu.memory_space<vmem>> -> memref<128xi32, #tpu.memory_space<vmem>>
        %dma_wait3A_113 = arith.constant 0 : i32
        %dma_wait3A_114 = arith.constant 0 : i32
        %dma_wait3A_115 = tpu.memref_slice %arg7[%dma_wait3A_113, %dma_wait3A_114] : memref<10240x128xf32, #tpu.memory_space<vmem_shared>> -> memref<10240x128xf32, #tpu.memory_space<vmem_shared>>
        tpu.wait_indirect_dma semaphore(%run_scoped3A : memref<!tpu.dma_semaphore, #tpu.memory_space<semaphore_mem>>) src(%arg11 : memref<128x128xf32, #tpu.memory_space<vmem>>) dst(%dma_wait3A_115 : memref<10240x128xf32, #tpu.memory_space<vmem_shared>>)
        tpu.yield
      }) : () -> ()
      %add3A_95 = arith.constant 2 : i32
      %add3A_96 = arith.addi %mul3A_67, %add3A_95 : i32
      %add3A_97 = arith.constant 1 : i32
      %add3A_98 = arith.addi %add3A_96, %add3A_97 : i32
      %lt3A_99 = arith.constant 40 : i32
      %lt3A_100 = arith.cmpi slt, %add3A_98, %lt3A_99 : i32
      %convert_element_type3A_101 = arith.extui %lt3A_100 : i1 to i32
      %cond3A_102 = arith.constant 0 : i32
      %cond3A_103 = arith.cmpi ne, %convert_element_type3A_101, %cond3A_102 : i32
      scf.if %cond3A_103 {
        %add3A_104 = arith.constant 2 : i32
        %add3A_105 = arith.addi %mul3A_67, %add3A_104 : i32
        %add3A_106 = arith.constant 1 : i32
        %add3A_107 = arith.addi %add3A_105, %add3A_106 : i32
        %dma_start3A_108 = arith.constant 0 : i32
        %dma_start3A_109 = tpu.memref_slice %arg8[%add3A_107, %dma_start3A_108] : memref<40x128xi32, #tpu.memory_space<vmem>> -> memref<1x128xi32, #tpu.memory_space<vmem>>
        %dma_start3A_110 = tpu.memref_squeeze %dma_start3A_109 : memref<1x128xi32, #tpu.memory_space<vmem>> -> memref<128xi32, #tpu.memory_space<vmem>>
        %dma_start3A_111 = arith.constant 0 : i32
        %dma_start3A_112 = arith.constant 0 : i32
        %dma_start3A_113 = tpu.memref_slice %arg2[%dma_start3A_111, %dma_start3A_112] : memref<10240x128xf32, #tpu.memory_space<hbm>> -> memref<10240x128xf32, #tpu.memory_space<hbm>>
        tpu.enqueue_indirect_dma source(%dma_start3A_113 : memref<10240x128xf32, #tpu.memory_space<hbm>>) target(%arg11 : memref<128x128xf32, #tpu.memory_space<vmem>>) offsets(%dma_start3A_110 : memref<128xi32, #tpu.memory_space<vmem>>) semaphore(%arg13 : memref<!tpu.dma_semaphore, #tpu.memory_space<semaphore_mem>>)
      } else {
      }
    }
    %scan3A_28 = arith.constant 20 : i32
    %mul3A_29 = arith.constant 80 : i32
    %mul3A_30 = arith.muli %add3A, %mul3A_29 : i32
    %add3A_31 = arith.constant 40 : i32
    %add3A_32 = arith.addi %mul3A_30, %add3A_31 : i32
    "tpu.region"() ({
      %run_scoped3A = tpu.sem_alloc : memref<!tpu.dma_semaphore, #tpu.memory_space<semaphore_mem>>
      %dma_start3A_65 = arith.constant 0 : i32
      %dma_start3A_66 = tpu.memref_slice %arg3[%add3A_32, %dma_start3A_65] : memref<2560x128xi32, #tpu.memory_space<hbm>> -> memref<40x128xi32, #tpu.memory_space<hbm>>
      %dma_start3A_67 = arith.constant 0 : i32
      %dma_start3A_68 = tpu.memref_slice %arg3[%add3A_32, %dma_start3A_67] : memref<2560x128xi32, #tpu.memory_space<hbm>> -> memref<40x128xi32, #tpu.memory_space<hbm>>
      tpu.enqueue_dma source(%dma_start3A_68 : memref<40x128xi32, #tpu.memory_space<hbm>>) target(%arg8 : memref<40x128xi32, #tpu.memory_space<vmem>>) target_semaphore(%run_scoped3A : memref<!tpu.dma_semaphore, #tpu.memory_space<semaphore_mem>>)
      %dma_wait3A = arith.constant 0 : i32
      %dma_wait3A_69 = tpu.memref_slice %arg3[%add3A_32, %dma_wait3A] : memref<2560x128xi32, #tpu.memory_space<hbm>> -> memref<40x128xi32, #tpu.memory_space<hbm>>
      %dma_wait3A_70 = arith.constant 0 : i32
      %dma_wait3A_71 = tpu.memref_slice %arg3[%add3A_32, %dma_wait3A_70] : memref<2560x128xi32, #tpu.memory_space<hbm>> -> memref<40x128xi32, #tpu.memory_space<hbm>>
      tpu.wait_dma2 semaphore(%run_scoped3A : memref<!tpu.dma_semaphore, #tpu.memory_space<semaphore_mem>>) src(%dma_wait3A_71 : memref<40x128xi32, #tpu.memory_space<hbm>>) dst(%arg8 : memref<40x128xi32, #tpu.memory_space<vmem>>)
      tpu.yield
    }) : () -> ()
    %mul3A_33 = arith.constant 80 : i32
    %mul3A_34 = arith.muli %add3A, %mul3A_33 : i32
    %add3A_35 = arith.constant 40 : i32
    %add3A_36 = arith.addi %mul3A_34, %add3A_35 : i32
    "tpu.region"() ({
      %run_scoped3A = tpu.sem_alloc : memref<!tpu.dma_semaphore, #tpu.memory_space<semaphore_mem>>
      %dma_start3A_65 = arith.constant 0 : i32
      %dma_start3A_66 = tpu.memref_slice %arg4[%add3A_36, %dma_start3A_65] : memref<2560x128xi32, #tpu.memory_space<hbm>> -> memref<40x128xi32, #tpu.memory_space<hbm>>
      %dma_start3A_67 = arith.constant 0 : i32
      %dma_start3A_68 = tpu.memref_slice %arg4[%add3A_36, %dma_start3A_67] : memref<2560x128xi32, #tpu.memory_space<hbm>> -> memref<40x128xi32, #tpu.memory_space<hbm>>
      tpu.enqueue_dma source(%dma_start3A_68 : memref<40x128xi32, #tpu.memory_space<hbm>>) target(%arg9 : memref<40x128xi32, #tpu.memory_space<vmem>>) target_semaphore(%run_scoped3A : memref<!tpu.dma_semaphore, #tpu.memory_space<semaphore_mem>>)
      %dma_wait3A = arith.constant 0 : i32
      %dma_wait3A_69 = tpu.memref_slice %arg4[%add3A_36, %dma_wait3A] : memref<2560x128xi32, #tpu.memory_space<hbm>> -> memref<40x128xi32, #tpu.memory_space<hbm>>
      %dma_wait3A_70 = arith.constant 0 : i32
      %dma_wait3A_71 = tpu.memref_slice %arg4[%add3A_36, %dma_wait3A_70] : memref<2560x128xi32, #tpu.memory_space<hbm>> -> memref<40x128xi32, #tpu.memory_space<hbm>>
      tpu.wait_dma2 semaphore(%run_scoped3A : memref<!tpu.dma_semaphore, #tpu.memory_space<semaphore_mem>>) src(%dma_wait3A_71 : memref<40x128xi32, #tpu.memory_space<hbm>>) dst(%arg9 : memref<40x128xi32, #tpu.memory_space<vmem>>)
      tpu.yield
    }) : () -> ()
    %dma_start3A_37 = arith.constant 0 : i32
    %dma_start3A_38 = arith.constant 0 : i32
    %dma_start3A_39 = tpu.memref_slice %arg8[%dma_start3A_37, %dma_start3A_38] : memref<40x128xi32, #tpu.memory_space<vmem>> -> memref<1x128xi32, #tpu.memory_space<vmem>>
    %dma_start3A_40 = tpu.memref_squeeze %dma_start3A_39 : memref<1x128xi32, #tpu.memory_space<vmem>> -> memref<128xi32, #tpu.memory_space<vmem>>
    %dma_start3A_41 = arith.constant 0 : i32
    %dma_start3A_42 = arith.constant 0 : i32
    %dma_start3A_43 = tpu.memref_slice %arg2[%dma_start3A_41, %dma_start3A_42] : memref<10240x128xf32, #tpu.memory_space<hbm>> -> memref<10240x128xf32, #tpu.memory_space<hbm>>
    tpu.enqueue_indirect_dma source(%dma_start3A_43 : memref<10240x128xf32, #tpu.memory_space<hbm>>) target(%arg10 : memref<128x128xf32, #tpu.memory_space<vmem>>) offsets(%dma_start3A_40 : memref<128xi32, #tpu.memory_space<vmem>>) semaphore(%arg12 : memref<!tpu.dma_semaphore, #tpu.memory_space<semaphore_mem>>)
    %dma_start3A_44 = arith.constant 1 : i32
    %dma_start3A_45 = arith.constant 0 : i32
    %dma_start3A_46 = tpu.memref_slice %arg8[%dma_start3A_44, %dma_start3A_45] : memref<40x128xi32, #tpu.memory_space<vmem>> -> memref<1x128xi32, #tpu.memory_space<vmem>>
    %dma_start3A_47 = tpu.memref_squeeze %dma_start3A_46 : memref<1x128xi32, #tpu.memory_space<vmem>> -> memref<128xi32, #tpu.memory_space<vmem>>
    %dma_start3A_48 = arith.constant 0 : i32
    %dma_start3A_49 = arith.constant 0 : i32
    %dma_start3A_50 = tpu.memref_slice %arg2[%dma_start3A_48, %dma_start3A_49] : memref<10240x128xf32, #tpu.memory_space<hbm>> -> memref<10240x128xf32, #tpu.memory_space<hbm>>
    tpu.enqueue_indirect_dma source(%dma_start3A_50 : memref<10240x128xf32, #tpu.memory_space<hbm>>) target(%arg11 : memref<128x128xf32, #tpu.memory_space<vmem>>) offsets(%dma_start3A_47 : memref<128xi32, #tpu.memory_space<vmem>>) semaphore(%arg13 : memref<!tpu.dma_semaphore, #tpu.memory_space<semaphore_mem>>)
    %scan3A_51 = arith.constant 0 : i32
    %scan3A_52 = arith.constant 0 : i32
    %scan3A_53 = arith.constant 20 : i32
    %scan3A_54 = arith.addi %scan3A_52, %scan3A_53 : i32
    %scan3A_55 = arith.constant 1 : i32
    scf.for %scan3A_65 = %scan3A_52 to %scan3A_54 step %scan3A_55  : i32 {
      %mul3A_66 = arith.constant 2 : i32
      %mul3A_67 = arith.muli %mul3A_66, %scan3A_65 : i32
      %add3A_68 = arith.constant 0 : i32
      %add3A_69 = arith.addi %mul3A_67, %add3A_68 : i32
      %dma_wait3A = arith.constant 0 : i32
      %dma_wait3A_70 = tpu.memref_slice %arg8[%add3A_69, %dma_wait3A] : memref<40x128xi32, #tpu.memory_space<vmem>> -> memref<1x128xi32, #tpu.memory_space<vmem>>
      %dma_wait3A_71 = tpu.memref_squeeze %dma_wait3A_70 : memref<1x128xi32, #tpu.memory_space<vmem>> -> memref<128xi32, #tpu.memory_space<vmem>>
      %dma_wait3A_72 = arith.constant 0 : i32
      %dma_wait3A_73 = arith.constant 0 : i32
      %dma_wait3A_74 = tpu.memref_slice %arg2[%dma_wait3A_72, %dma_wait3A_73] : memref<10240x128xf32, #tpu.memory_space<hbm>> -> memref<10240x128xf32, #tpu.memory_space<hbm>>
      tpu.wait_indirect_dma semaphore(%arg12 : memref<!tpu.dma_semaphore, #tpu.memory_space<semaphore_mem>>) src(%dma_wait3A_74 : memref<10240x128xf32, #tpu.memory_space<hbm>>) dst(%arg10 : memref<128x128xf32, #tpu.memory_space<vmem>>)
      %add3A_75 = arith.constant 0 : i32
      %add3A_76 = arith.addi %mul3A_67, %add3A_75 : i32
      "tpu.region"() ({
        %run_scoped3A = tpu.sem_alloc : memref<!tpu.dma_semaphore, #tpu.memory_space<semaphore_mem>>
        %dma_start3A_104 = arith.constant 0 : i32
        %dma_start3A_105 = tpu.memref_slice %arg9[%add3A_76, %dma_start3A_104] : memref<40x128xi32, #tpu.memory_space<vmem>> -> memref<1x128xi32, #tpu.memory_space<vmem>>
        %dma_start3A_106 = tpu.memref_squeeze %dma_start3A_105 : memref<1x128xi32, #tpu.memory_space<vmem>> -> memref<128xi32, #tpu.memory_space<vmem>>
        %dma_start3A_107 = arith.constant 0 : i32
        %dma_start3A_108 = arith.constant 0 : i32
        %dma_start3A_109 = tpu.memref_slice %arg7[%dma_start3A_107, %dma_start3A_108] : memref<10240x128xf32, #tpu.memory_space<vmem_shared>> -> memref<10240x128xf32, #tpu.memory_space<vmem_shared>>
        tpu.enqueue_indirect_dma source(%arg10 : memref<128x128xf32, #tpu.memory_space<vmem>>) target(%dma_start3A_109 : memref<10240x128xf32, #tpu.memory_space<vmem_shared>>) offsets(%dma_start3A_106 : memref<128xi32, #tpu.memory_space<vmem>>) semaphore(%run_scoped3A : memref<!tpu.dma_semaphore, #tpu.memory_space<semaphore_mem>>) {add = true}
        %dma_wait3A_110 = arith.constant 0 : i32
        %dma_wait3A_111 = tpu.memref_slice %arg9[%add3A_76, %dma_wait3A_110] : memref<40x128xi32, #tpu.memory_space<vmem>> -> memref<1x128xi32, #tpu.memory_space<vmem>>
        %dma_wait3A_112 = tpu.memref_squeeze %dma_wait3A_111 : memref<1x128xi32, #tpu.memory_space<vmem>> -> memref<128xi32, #tpu.memory_space<vmem>>
        %dma_wait3A_113 = arith.constant 0 : i32
        %dma_wait3A_114 = arith.constant 0 : i32
        %dma_wait3A_115 = tpu.memref_slice %arg7[%dma_wait3A_113, %dma_wait3A_114] : memref<10240x128xf32, #tpu.memory_space<vmem_shared>> -> memref<10240x128xf32, #tpu.memory_space<vmem_shared>>
        tpu.wait_indirect_dma semaphore(%run_scoped3A : memref<!tpu.dma_semaphore, #tpu.memory_space<semaphore_mem>>) src(%arg10 : memref<128x128xf32, #tpu.memory_space<vmem>>) dst(%dma_wait3A_115 : memref<10240x128xf32, #tpu.memory_space<vmem_shared>>)
        tpu.yield
      }) : () -> ()
      %add3A_77 = arith.constant 2 : i32
      %add3A_78 = arith.addi %mul3A_67, %add3A_77 : i32
      %add3A_79 = arith.constant 0 : i32
      %add3A_80 = arith.addi %add3A_78, %add3A_79 : i32
      %lt3A = arith.constant 40 : i32
      %lt3A_81 = arith.cmpi slt, %add3A_80, %lt3A : i32
      %convert_element_type3A_82 = arith.extui %lt3A_81 : i1 to i32
      %cond3A_83 = arith.constant 0 : i32
      %cond3A_84 = arith.cmpi ne, %convert_element_type3A_82, %cond3A_83 : i32
      scf.if %cond3A_84 {
        %add3A_104 = arith.constant 2 : i32
        %add3A_105 = arith.addi %mul3A_67, %add3A_104 : i32
        %add3A_106 = arith.constant 0 : i32
        %add3A_107 = arith.addi %add3A_105, %add3A_106 : i32
        %dma_start3A_108 = arith.constant 0 : i32
        %dma_start3A_109 = tpu.memref_slice %arg8[%add3A_107, %dma_start3A_108] : memref<40x128xi32, #tpu.memory_space<vmem>> -> memref<1x128xi32, #tpu.memory_space<vmem>>
        %dma_start3A_110 = tpu.memref_squeeze %dma_start3A_109 : memref<1x128xi32, #tpu.memory_space<vmem>> -> memref<128xi32, #tpu.memory_space<vmem>>
        %dma_start3A_111 = arith.constant 0 : i32
        %dma_start3A_112 = arith.constant 0 : i32
        %dma_start3A_113 = tpu.memref_slice %arg2[%dma_start3A_111, %dma_start3A_112] : memref<10240x128xf32, #tpu.memory_space<hbm>> -> memref<10240x128xf32, #tpu.memory_space<hbm>>
        tpu.enqueue_indirect_dma source(%dma_start3A_113 : memref<10240x128xf32, #tpu.memory_space<hbm>>) target(%arg10 : memref<128x128xf32, #tpu.memory_space<vmem>>) offsets(%dma_start3A_110 : memref<128xi32, #tpu.memory_space<vmem>>) semaphore(%arg12 : memref<!tpu.dma_semaphore, #tpu.memory_space<semaphore_mem>>)
      } else {
      }
      %add3A_85 = arith.constant 1 : i32
      %add3A_86 = arith.addi %mul3A_67, %add3A_85 : i32
      %dma_wait3A_87 = arith.constant 0 : i32
      %dma_wait3A_88 = tpu.memref_slice %arg8[%add3A_86, %dma_wait3A_87] : memref<40x128xi32, #tpu.memory_space<vmem>> -> memref<1x128xi32, #tpu.memory_space<vmem>>
      %dma_wait3A_89 = tpu.memref_squeeze %dma_wait3A_88 : memref<1x128xi32, #tpu.memory_space<vmem>> -> memref<128xi32, #tpu.memory_space<vmem>>
      %dma_wait3A_90 = arith.constant 0 : i32
      %dma_wait3A_91 = arith.constant 0 : i32
      %dma_wait3A_92 = tpu.memref_slice %arg2[%dma_wait3A_90, %dma_wait3A_91] : memref<10240x128xf32, #tpu.memory_space<hbm>> -> memref<10240x128xf32, #tpu.memory_space<hbm>>
      tpu.wait_indirect_dma semaphore(%arg13 : memref<!tpu.dma_semaphore, #tpu.memory_space<semaphore_mem>>) src(%dma_wait3A_92 : memref<10240x128xf32, #tpu.memory_space<hbm>>) dst(%arg11 : memref<128x128xf32, #tpu.memory_space<vmem>>)
      %add3A_93 = arith.constant 1 : i32
      %add3A_94 = arith.addi %mul3A_67, %add3A_93 : i32
      "tpu.region"() ({
        %run_scoped3A = tpu.sem_alloc : memref<!tpu.dma_semaphore, #tpu.memory_space<semaphore_mem>>
        %dma_start3A_104 = arith.constant 0 : i32
        %dma_start3A_105 = tpu.memref_slice %arg9[%add3A_94, %dma_start3A_104] : memref<40x128xi32, #tpu.memory_space<vmem>> -> memref<1x128xi32, #tpu.memory_space<vmem>>
        %dma_start3A_106 = tpu.memref_squeeze %dma_start3A_105 : memref<1x128xi32, #tpu.memory_space<vmem>> -> memref<128xi32, #tpu.memory_space<vmem>>
        %dma_start3A_107 = arith.constant 0 : i32
        %dma_start3A_108 = arith.constant 0 : i32
        %dma_start3A_109 = tpu.memref_slice %arg7[%dma_start3A_107, %dma_start3A_108] : memref<10240x128xf32, #tpu.memory_space<vmem_shared>> -> memref<10240x128xf32, #tpu.memory_space<vmem_shared>>
        tpu.enqueue_indirect_dma source(%arg11 : memref<128x128xf32, #tpu.memory_space<vmem>>) target(%dma_start3A_109 : memref<10240x128xf32, #tpu.memory_space<vmem_shared>>) offsets(%dma_start3A_106 : memref<128xi32, #tpu.memory_space<vmem>>) semaphore(%run_scoped3A : memref<!tpu.dma_semaphore, #tpu.memory_space<semaphore_mem>>) {add = true}
        %dma_wait3A_110 = arith.constant 0 : i32
        %dma_wait3A_111 = tpu.memref_slice %arg9[%add3A_94, %dma_wait3A_110] : memref<40x128xi32, #tpu.memory_space<vmem>> -> memref<1x128xi32, #tpu.memory_space<vmem>>
        %dma_wait3A_112 = tpu.memref_squeeze %dma_wait3A_111 : memref<1x128xi32, #tpu.memory_space<vmem>> -> memref<128xi32, #tpu.memory_space<vmem>>
        %dma_wait3A_113 = arith.constant 0 : i32
        %dma_wait3A_114 = arith.constant 0 : i32
        %dma_wait3A_115 = tpu.memref_slice %arg7[%dma_wait3A_113, %dma_wait3A_114] : memref<10240x128xf32, #tpu.memory_space<vmem_shared>> -> memref<10240x128xf32, #tpu.memory_space<vmem_shared>>
        tpu.wait_indirect_dma semaphore(%run_scoped3A : memref<!tpu.dma_semaphore, #tpu.memory_space<semaphore_mem>>) src(%arg11 : memref<128x128xf32, #tpu.memory_space<vmem>>) dst(%dma_wait3A_115 : memref<10240x128xf32, #tpu.memory_space<vmem_shared>>)
        tpu.yield
      }) : () -> ()
      %add3A_95 = arith.constant 2 : i32
      %add3A_96 = arith.addi %mul3A_67, %add3A_95 : i32
      %add3A_97 = arith.constant 1 : i32
      %add3A_98 = arith.addi %add3A_96, %add3A_97 : i32
      %lt3A_99 = arith.constant 40 : i32
      %lt3A_100 = arith.cmpi slt, %add3A_98, %lt3A_99 : i32
      %convert_element_type3A_101 = arith.extui %lt3A_100 : i1 to i32
      %cond3A_102 = arith.constant 0 : i32
      %cond3A_103 = arith.cmpi ne, %convert_element_type3A_101, %cond3A_102 : i32
      scf.if %cond3A_103 {
        %add3A_104 = arith.constant 2 : i32
        %add3A_105 = arith.addi %mul3A_67, %add3A_104 : i32
        %add3A_106 = arith.constant 1 : i32
        %add3A_107 = arith.addi %add3A_105, %add3A_106 : i32
        %dma_start3A_108 = arith.constant 0 : i32
        %dma_start3A_109 = tpu.memref_slice %arg8[%add3A_107, %dma_start3A_108] : memref<40x128xi32, #tpu.memory_space<vmem>> -> memref<1x128xi32, #tpu.memory_space<vmem>>
        %dma_start3A_110 = tpu.memref_squeeze %dma_start3A_109 : memref<1x128xi32, #tpu.memory_space<vmem>> -> memref<128xi32, #tpu.memory_space<vmem>>
        %dma_start3A_111 = arith.constant 0 : i32
        %dma_start3A_112 = arith.constant 0 : i32
        %dma_start3A_113 = tpu.memref_slice %arg2[%dma_start3A_111, %dma_start3A_112] : memref<10240x128xf32, #tpu.memory_space<hbm>> -> memref<10240x128xf32, #tpu.memory_space<hbm>>
        tpu.enqueue_indirect_dma source(%dma_start3A_113 : memref<10240x128xf32, #tpu.memory_space<hbm>>) target(%arg11 : memref<128x128xf32, #tpu.memory_space<vmem>>) offsets(%dma_start3A_110 : memref<128xi32, #tpu.memory_space<vmem>>) semaphore(%arg13 : memref<!tpu.dma_semaphore, #tpu.memory_space<semaphore_mem>>)
      } else {
      }
    }
    %scan3A_56 = arith.constant 20 : i32
    %barrier3A_57 = arith.constant 0 : index
    tpu.barrier barrier_id(%barrier3A_57)
    %eq3A = arith.constant 0 : i32
    %eq3A_58 = arith.cmpi eq, %arg0, %eq3A : i32
    %convert_element_type3A = arith.extui %eq3A_58 : i1 to i32
    %cond3A = arith.constant 0 : i32
    %cond3A_59 = arith.cmpi ne, %convert_element_type3A, %cond3A : i32
    scf.if %cond3A_59 {
      "tpu.region"() ({
        %run_scoped3A = tpu.sem_alloc : memref<!tpu.dma_semaphore, #tpu.memory_space<semaphore_mem>>
        %dma_start3A_65 = arith.constant 0 : i32
        %dma_start3A_66 = tpu.memref_slice %arg5[%mul3A_2, %dma_start3A_65] : memref<10240x128xf32, #tpu.memory_space<hbm>> -> memref<640x128xf32, #tpu.memory_space<hbm>>
        %dma_start3A_67 = arith.constant 0 : i32
        %dma_start3A_68 = tpu.memref_slice %arg7[%mul3A_2, %dma_start3A_67] : memref<10240x128xf32, #tpu.memory_space<vmem_shared>> -> memref<640x128xf32, #tpu.memory_space<vmem_shared>>
        tpu.enqueue_dma source(%dma_start3A_68 : memref<640x128xf32, #tpu.memory_space<vmem_shared>>) target(%dma_start3A_66 : memref<640x128xf32, #tpu.memory_space<hbm>>) target_semaphore(%run_scoped3A : memref<!tpu.dma_semaphore, #tpu.memory_space<semaphore_mem>>)
        %dma_wait3A = arith.constant 0 : i32
        %dma_wait3A_69 = tpu.memref_slice %arg5[%mul3A_2, %dma_wait3A] : memref<10240x128xf32, #tpu.memory_space<hbm>> -> memref<640x128xf32, #tpu.memory_space<hbm>>
        %dma_wait3A_70 = arith.constant 0 : i32
        %dma_wait3A_71 = tpu.memref_slice %arg7[%mul3A_2, %dma_wait3A_70] : memref<10240x128xf32, #tpu.memory_space<vmem_shared>> -> memref<640x128xf32, #tpu.memory_space<vmem_shared>>
        tpu.wait_dma2 semaphore(%run_scoped3A : memref<!tpu.dma_semaphore, #tpu.memory_space<semaphore_mem>>) src(%dma_wait3A_71 : memref<640x128xf32, #tpu.memory_space<vmem_shared>>) dst(%dma_wait3A_69 : memref<640x128xf32, #tpu.memory_space<hbm>>)
        tpu.yield
      }) : () -> ()
    } else {
    }
    %eq3A_60 = arith.constant 1 : i32
    %eq3A_61 = arith.cmpi eq, %arg0, %eq3A_60 : i32
    %convert_element_type3A_62 = arith.extui %eq3A_61 : i1 to i32
    %cond3A_63 = arith.constant 0 : i32
    %cond3A_64 = arith.cmpi ne, %convert_element_type3A_62, %cond3A_63 : i32
    scf.if %cond3A_64 {
      "tpu.region"() ({
        %run_scoped3A = tpu.sem_alloc : memref<!tpu.dma_semaphore, #tpu.memory_space<semaphore_mem>>
        %dma_start3A_65 = arith.constant 0 : i32
        %dma_start3A_66 = tpu.memref_slice %arg6[%mul3A_2, %dma_start3A_65] : memref<10240x128xf32, #tpu.memory_space<hbm>> -> memref<640x128xf32, #tpu.memory_space<hbm>>
        %dma_start3A_67 = arith.constant 0 : i32
        %dma_start3A_68 = tpu.memref_slice %arg7[%mul3A_2, %dma_start3A_67] : memref<10240x128xf32, #tpu.memory_space<vmem_shared>> -> memref<640x128xf32, #tpu.memory_space<vmem_shared>>
        tpu.enqueue_dma source(%dma_start3A_68 : memref<640x128xf32, #tpu.memory_space<vmem_shared>>) target(%dma_start3A_66 : memref<640x128xf32, #tpu.memory_space<hbm>>) target_semaphore(%run_scoped3A : memref<!tpu.dma_semaphore, #tpu.memory_space<semaphore_mem>>)
        %dma_wait3A = arith.constant 0 : i32
        %dma_wait3A_69 = tpu.memref_slice %arg6[%mul3A_2, %dma_wait3A] : memref<10240x128xf32, #tpu.memory_space<hbm>> -> memref<640x128xf32, #tpu.memory_space<hbm>>
        %dma_wait3A_70 = arith.constant 0 : i32
        %dma_wait3A_71 = tpu.memref_slice %arg7[%mul3A_2, %dma_wait3A_70] : memref<10240x128xf32, #tpu.memory_space<vmem_shared>> -> memref<640x128xf32, #tpu.memory_space<vmem_shared>>
        tpu.wait_dma2 semaphore(%run_scoped3A : memref<!tpu.dma_semaphore, #tpu.memory_space<semaphore_mem>>) src(%dma_wait3A_71 : memref<640x128xf32, #tpu.memory_space<vmem_shared>>) dst(%dma_wait3A_69 : memref<640x128xf32, #tpu.memory_space<hbm>>)
        tpu.yield
      }) : () -> ()
    } else {
    }
    return
  }
}

#map = affine_map<(d0, d1) -> (0, 0)>
#map1 = affine_map<(d0, d1) -> (0)>
module attributes {stable_mosaic.version = 14 : i64} {
  func.func @_deg_body(%arg0: i32, %arg1: i32, %arg2: memref<2560x128xi32, #tpu.memory_space<hbm>>, %arg3: memref<10240xf32, #tpu.memory_space<hbm>>, %arg4: memref<10240xf32, #tpu.memory_space<hbm>>, %arg5: memref<10240xf32, #tpu.memory_space<vmem_shared>>, %arg6: memref<80x128xi32, #tpu.memory_space<vmem>>, %arg7: memref<128xf32, #tpu.memory_space<vmem>>, %arg8: memref<640xf32, #tpu.memory_space<vmem>>) attributes {dimension_semantics = [#tpu.dimension_semantics<core_parallel>, #tpu.dimension_semantics<subcore_parallel>], iteration_bounds = array<i64: 2, 16>, scalar_prefetch = 0 : i64, scratch_operands = 4 : i64, tpu.core_type = #tpu.core_type<sc_vector_subcore>, window_params = [{transform_indices = #map}, {transform_indices = #map1}, {transform_indices = #map1}]} {
    %mul3A = arith.constant 16 : i32
    %mul3A_0 = arith.muli %arg0, %mul3A : i32
    %add3A = arith.addi %mul3A_0, %arg1 : i32
    %scan3A = arith.constant 0 : i32
    %scan3A_1 = arith.constant 0 : i32
    %scan3A_2 = arith.constant 40 : i32
    %scan3A_3 = arith.addi %scan3A_1, %scan3A_2 : i32
    %scan3A_4 = arith.constant 1 : i32
    scf.for %scan3A_32 = %scan3A_1 to %scan3A_3 step %scan3A_4  : i32 {
      %broadcast_in_dim3A = arith.constant 0.000000e+00 : f32
      %broadcast_in_dim3A_33 = vector.broadcast %broadcast_in_dim3A : f32 to vector<16xf32>
      %mul3A_34 = arith.constant 16 : i32
      %mul3A_35 = arith.muli %scan3A_32, %mul3A_34 : i32
      %swap3A = arith.index_cast %mul3A_35 : i32 to index
      %swap3A_36 = tpu.vector_load %arg8[%swap3A] {strides = array<i32>} : memref<640xf32, #tpu.memory_space<vmem>>, vector<16xf32>,
      %swap3A_37 = vector.shape_cast %swap3A_36 : vector<16xf32> to vector<16xf32>
      %swap3A_38 = vector.shape_cast %broadcast_in_dim3A_33 : vector<16xf32> to vector<16xf32>
      tpu.vector_store %arg8[%swap3A], %swap3A_38 {strides = array<i32>} : memref<640xf32, #tpu.memory_space<vmem>>, vector<16xf32>,
    }
    %scan3A_5 = arith.constant 40 : i32
    %scan3A_6 = arith.constant 0 : i32
    %scan3A_7 = arith.constant 0 : i32
    %scan3A_8 = arith.constant 8 : i32
    %scan3A_9 = arith.addi %scan3A_7, %scan3A_8 : i32
    %scan3A_10 = arith.constant 1 : i32
    scf.for %scan3A_32 = %scan3A_7 to %scan3A_9 step %scan3A_10  : i32 {
      %broadcast_in_dim3A = arith.constant 1.000000e+00 : f32
      %broadcast_in_dim3A_33 = vector.broadcast %broadcast_in_dim3A : f32 to vector<16xf32>
      %mul3A_34 = arith.constant 16 : i32
      %mul3A_35 = arith.muli %scan3A_32, %mul3A_34 : i32
      %swap3A = arith.index_cast %mul3A_35 : i32 to index
      %swap3A_36 = tpu.vector_load %arg7[%swap3A] {strides = array<i32>} : memref<128xf32, #tpu.memory_space<vmem>>, vector<16xf32>,
      %swap3A_37 = vector.shape_cast %swap3A_36 : vector<16xf32> to vector<16xf32>
      %swap3A_38 = vector.shape_cast %broadcast_in_dim3A_33 : vector<16xf32> to vector<16xf32>
      tpu.vector_store %arg7[%swap3A], %swap3A_38 {strides = array<i32>} : memref<128xf32, #tpu.memory_space<vmem>>, vector<16xf32>,
    }
    %scan3A_11 = arith.constant 8 : i32
    %mul3A_12 = arith.constant 640 : i32
    %mul3A_13 = arith.muli %arg1, %mul3A_12 : i32
    "tpu.region"() ({
      %run_scoped3A = tpu.sem_alloc : memref<!tpu.dma_semaphore, #tpu.memory_space<semaphore_mem>>
      %dma_start3A = tpu.memref_slice %arg5[%mul3A_13] : memref<10240xf32, #tpu.memory_space<vmem_shared>> -> memref<640xf32, #tpu.memory_space<vmem_shared>>
      %dma_start3A_32 = tpu.memref_slice %arg5[%mul3A_13] : memref<10240xf32, #tpu.memory_space<vmem_shared>> -> memref<640xf32, #tpu.memory_space<vmem_shared>>
      tpu.enqueue_dma source(%arg8 : memref<640xf32, #tpu.memory_space<vmem>>) target(%dma_start3A_32 : memref<640xf32, #tpu.memory_space<vmem_shared>>) target_semaphore(%run_scoped3A : memref<!tpu.dma_semaphore, #tpu.memory_space<semaphore_mem>>)
      %dma_wait3A = tpu.memref_slice %arg5[%mul3A_13] : memref<10240xf32, #tpu.memory_space<vmem_shared>> -> memref<640xf32, #tpu.memory_space<vmem_shared>>
      %dma_wait3A_33 = tpu.memref_slice %arg5[%mul3A_13] : memref<10240xf32, #tpu.memory_space<vmem_shared>> -> memref<640xf32, #tpu.memory_space<vmem_shared>>
      tpu.wait_dma2 semaphore(%run_scoped3A : memref<!tpu.dma_semaphore, #tpu.memory_space<semaphore_mem>>) src(%arg8 : memref<640xf32, #tpu.memory_space<vmem>>) dst(%dma_wait3A_33 : memref<640xf32, #tpu.memory_space<vmem_shared>>)
      tpu.yield
    }) : () -> ()
    %mul3A_14 = arith.constant 80 : i32
    %mul3A_15 = arith.muli %add3A, %mul3A_14 : i32
    "tpu.region"() ({
      %run_scoped3A = tpu.sem_alloc : memref<!tpu.dma_semaphore, #tpu.memory_space<semaphore_mem>>
      %dma_start3A = arith.constant 0 : i32
      %dma_start3A_32 = tpu.memref_slice %arg2[%mul3A_15, %dma_start3A] : memref<2560x128xi32, #tpu.memory_space<hbm>> -> memref<80x128xi32, #tpu.memory_space<hbm>>
      %dma_start3A_33 = arith.constant 0 : i32
      %dma_start3A_34 = tpu.memref_slice %arg2[%mul3A_15, %dma_start3A_33] : memref<2560x128xi32, #tpu.memory_space<hbm>> -> memref<80x128xi32, #tpu.memory_space<hbm>>
      tpu.enqueue_dma source(%dma_start3A_34 : memref<80x128xi32, #tpu.memory_space<hbm>>) target(%arg6 : memref<80x128xi32, #tpu.memory_space<vmem>>) target_semaphore(%run_scoped3A : memref<!tpu.dma_semaphore, #tpu.memory_space<semaphore_mem>>)
      %dma_wait3A = arith.constant 0 : i32
      %dma_wait3A_35 = tpu.memref_slice %arg2[%mul3A_15, %dma_wait3A] : memref<2560x128xi32, #tpu.memory_space<hbm>> -> memref<80x128xi32, #tpu.memory_space<hbm>>
      %dma_wait3A_36 = arith.constant 0 : i32
      %dma_wait3A_37 = tpu.memref_slice %arg2[%mul3A_15, %dma_wait3A_36] : memref<2560x128xi32, #tpu.memory_space<hbm>> -> memref<80x128xi32, #tpu.memory_space<hbm>>
      tpu.wait_dma2 semaphore(%run_scoped3A : memref<!tpu.dma_semaphore, #tpu.memory_space<semaphore_mem>>) src(%dma_wait3A_37 : memref<80x128xi32, #tpu.memory_space<hbm>>) dst(%arg6 : memref<80x128xi32, #tpu.memory_space<vmem>>)
      tpu.yield
    }) : () -> ()
    %barrier3A = arith.constant 0 : index
    tpu.barrier barrier_id(%barrier3A)
    %scan3A_16 = arith.constant 0 : i32
    %scan3A_17 = arith.constant 0 : i32
    %scan3A_18 = arith.constant 80 : i32
    %scan3A_19 = arith.addi %scan3A_17, %scan3A_18 : i32
    %scan3A_20 = arith.constant 1 : i32
    scf.for %scan3A_32 = %scan3A_17 to %scan3A_19 step %scan3A_20  : i32 {
      "tpu.region"() ({
        %run_scoped3A = tpu.sem_alloc : memref<!tpu.dma_semaphore, #tpu.memory_space<semaphore_mem>>
        %dma_start3A = arith.constant 0 : i32
        %dma_start3A_33 = tpu.memref_slice %arg6[%scan3A_32, %dma_start3A] : memref<80x128xi32, #tpu.memory_space<vmem>> -> memref<1x128xi32, #tpu.memory_space<vmem>>
        %dma_start3A_34 = tpu.memref_squeeze %dma_start3A_33 : memref<1x128xi32, #tpu.memory_space<vmem>> -> memref<128xi32, #tpu.memory_space<vmem>>
        %dma_start3A_35 = arith.constant 0 : i32
        %dma_start3A_36 = tpu.memref_slice %arg5[%dma_start3A_35] : memref<10240xf32, #tpu.memory_space<vmem_shared>> -> memref<10240xf32, #tpu.memory_space<vmem_shared>>
        tpu.enqueue_indirect_dma source(%arg7 : memref<128xf32, #tpu.memory_space<vmem>>) target(%dma_start3A_36 : memref<10240xf32, #tpu.memory_space<vmem_shared>>) offsets(%dma_start3A_34 : memref<128xi32, #tpu.memory_space<vmem>>) semaphore(%run_scoped3A : memref<!tpu.dma_semaphore, #tpu.memory_space<semaphore_mem>>) {add = true}
        %dma_wait3A = arith.constant 0 : i32
        %dma_wait3A_37 = tpu.memref_slice %arg6[%scan3A_32, %dma_wait3A] : memref<80x128xi32, #tpu.memory_space<vmem>> -> memref<1x128xi32, #tpu.memory_space<vmem>>
        %dma_wait3A_38 = tpu.memref_squeeze %dma_wait3A_37 : memref<1x128xi32, #tpu.memory_space<vmem>> -> memref<128xi32, #tpu.memory_space<vmem>>
        %dma_wait3A_39 = arith.constant 0 : i32
        %dma_wait3A_40 = tpu.memref_slice %arg5[%dma_wait3A_39] : memref<10240xf32, #tpu.memory_space<vmem_shared>> -> memref<10240xf32, #tpu.memory_space<vmem_shared>>
        tpu.wait_indirect_dma semaphore(%run_scoped3A : memref<!tpu.dma_semaphore, #tpu.memory_space<semaphore_mem>>) src(%arg7 : memref<128xf32, #tpu.memory_space<vmem>>) dst(%dma_wait3A_40 : memref<10240xf32, #tpu.memory_space<vmem_shared>>)
        tpu.yield
      }) : () -> ()
    }
    %scan3A_21 = arith.constant 80 : i32
    %barrier3A_22 = arith.constant 0 : index
    tpu.barrier barrier_id(%barrier3A_22)
    %mul3A_23 = arith.constant 640 : i32
    %mul3A_24 = arith.muli %arg1, %mul3A_23 : i32
    %eq3A = arith.constant 0 : i32
    %eq3A_25 = arith.cmpi eq, %arg0, %eq3A : i32
    %convert_element_type3A = arith.extui %eq3A_25 : i1 to i32
    %cond3A = arith.constant 0 : i32
    %cond3A_26 = arith.cmpi ne, %convert_element_type3A, %cond3A : i32
    scf.if %cond3A_26 {
      "tpu.region"() ({
        %run_scoped3A = tpu.sem_alloc : memref<!tpu.dma_semaphore, #tpu.memory_space<semaphore_mem>>
        %dma_start3A = tpu.memref_slice %arg3[%mul3A_24] : memref<10240xf32, #tpu.memory_space<hbm>> -> memref<640xf32, #tpu.memory_space<hbm>>
        %dma_start3A_32 = tpu.memref_slice %arg5[%mul3A_24] : memref<10240xf32, #tpu.memory_space<vmem_shared>> -> memref<640xf32, #tpu.memory_space<vmem_shared>>
        tpu.enqueue_dma source(%dma_start3A_32 : memref<640xf32, #tpu.memory_space<vmem_shared>>) target(%dma_start3A : memref<640xf32, #tpu.memory_space<hbm>>) target_semaphore(%run_scoped3A : memref<!tpu.dma_semaphore, #tpu.memory_space<semaphore_mem>>)
        %dma_wait3A = tpu.memref_slice %arg3[%mul3A_24] : memref<10240xf32, #tpu.memory_space<hbm>> -> memref<640xf32, #tpu.memory_space<hbm>>
        %dma_wait3A_33 = tpu.memref_slice %arg5[%mul3A_24] : memref<10240xf32, #tpu.memory_space<vmem_shared>> -> memref<640xf32, #tpu.memory_space<vmem_shared>>
        tpu.wait_dma2 semaphore(%run_scoped3A : memref<!tpu.dma_semaphore, #tpu.memory_space<semaphore_mem>>) src(%dma_wait3A_33 : memref<640xf32, #tpu.memory_space<vmem_shared>>) dst(%dma_wait3A : memref<640xf32, #tpu.memory_space<hbm>>)
        tpu.yield
      }) : () -> ()
    } else {
    }
    %eq3A_27 = arith.constant 1 : i32
    %eq3A_28 = arith.cmpi eq, %arg0, %eq3A_27 : i32
    %convert_element_type3A_29 = arith.extui %eq3A_28 : i1 to i32
    %cond3A_30 = arith.constant 0 : i32
    %cond3A_31 = arith.cmpi ne, %convert_element_type3A_29, %cond3A_30 : i32
    scf.if %cond3A_31 {
      "tpu.region"() ({
        %run_scoped3A = tpu.sem_alloc : memref<!tpu.dma_semaphore, #tpu.memory_space<semaphore_mem>>
        %dma_start3A = tpu.memref_slice %arg4[%mul3A_24] : memref<10240xf32, #tpu.memory_space<hbm>> -> memref<640xf32, #tpu.memory_space<hbm>>
        %dma_start3A_32 = tpu.memref_slice %arg5[%mul3A_24] : memref<10240xf32, #tpu.memory_space<vmem_shared>> -> memref<640xf32, #tpu.memory_space<vmem_shared>>
        tpu.enqueue_dma source(%dma_start3A_32 : memref<640xf32, #tpu.memory_space<vmem_shared>>) target(%dma_start3A : memref<640xf32, #tpu.memory_space<hbm>>) target_semaphore(%run_scoped3A : memref<!tpu.dma_semaphore, #tpu.memory_space<semaphore_mem>>)
        %dma_wait3A = tpu.memref_slice %arg4[%mul3A_24] : memref<10240xf32, #tpu.memory_space<hbm>> -> memref<640xf32, #tpu.memory_space<hbm>>
        %dma_wait3A_33 = tpu.memref_slice %arg5[%mul3A_24] : memref<10240xf32, #tpu.memory_space<vmem_shared>> -> memref<640xf32, #tpu.memory_space<vmem_shared>>
        tpu.wait_dma2 semaphore(%run_scoped3A : memref<!tpu.dma_semaphore, #tpu.memory_space<semaphore_mem>>) src(%dma_wait3A_33 : memref<640xf32, #tpu.memory_space<vmem_shared>>) dst(%dma_wait3A : memref<640xf32, #tpu.memory_space<hbm>>)
        tpu.yield
      }) : () -> ()
    } else {
    }
    return
  }
}

module attributes {stable_mosaic.version = 14 : i64} {
  func.func @_mm_body(%arg0: i32, %arg1: memref<1024x128xf32, #tpu.memory_space<vmem>>, %arg2: memref<128x128xf32, #tpu.memory_space<vmem>>, %arg3: memref<1024x128xf32, #tpu.memory_space<vmem>>) attributes {dimension_semantics = [#tpu.dimension_semantics<arbitrary>], iteration_bounds = array<i64: 10>, scalar_prefetch = 0 : i64, scratch_operands = 0 : i64, tpu.core_type = #tpu.core_type<tc>, window_params = [{transform_indices = @transform_0, window_bounds = array<i64: 1024, 128>}, {pipeline_mode = #tpu.pipeline_mode<synchronous>, transform_indices = @transform_1, window_bounds = array<i64: 128, 128>}, {transform_indices = @transform_2, window_bounds = array<i64: 1024, 128>}]} {
    %get3A = arith.constant 0 : index
    %get3A_0 = arith.constant 0 : index
    %get3A_1 = vector.load %arg1[%get3A, %get3A_0] : memref<1024x128xf32, #tpu.memory_space<vmem>>, vector<1024x128xf32>
    %get3A_2 = arith.constant 0 : index
    %get3A_3 = arith.constant 0 : index
    %get3A_4 = vector.load %arg2[%get3A_2, %get3A_3] : memref<128x128xf32, #tpu.memory_space<vmem>>, vector<128x128xf32>
    %dot_general3A = arith.constant dense<0.000000e+00> : vector<1024x128xf32>
    %dot_general3A_5 = tpu.matmul %get3A_1, %get3A_4, %dot_general3A {dimension_numbers = #tpu.dot_dimension_numbers<[1], [0], [0], [1], [0, 0, 1, 1], [], []>, transpose_lhs_hint = false} : vector<1024x128xf32>, vector<128x128xf32>, vector<1024x128xf32> -> vector<1024x128xf32>
    %swap3A = arith.constant 0 : index
    %swap3A_6 = arith.constant 0 : index
    %swap3A_7 = vector.load %arg3[%swap3A, %swap3A_6] : memref<1024x128xf32, #tpu.memory_space<vmem>>, vector<1024x128xf32>
    tpu.vector_store %arg3[%swap3A, %swap3A_6], %dot_general3A_5 {strides = array<i32>} : memref<1024x128xf32, #tpu.memory_space<vmem>>, vector<1024x128xf32>,
    return
  }
  func.func @transform_0(%arg0: i32) -> (i32, i32) {
    %c0_i32 = arith.constant 0 : i32
    %c0_i32_0 = arith.constant 0 : i32
    return %arg0, %c0_i32 : i32, i32
  }
  func.func @transform_1(%arg0: i32) -> (i32, i32) {
    %c0_i32 = arith.constant 0 : i32
    %c0_i32_0 = arith.constant 0 : i32
    %c0_i32_1 = arith.constant 0 : i32
    return %c0_i32, %c0_i32_0 : i32, i32
  }
  func.func @transform_2(%arg0: i32) -> (i32, i32) {
    %c0_i32 = arith.constant 0 : i32
    %c0_i32_0 = arith.constant 0 : i32
    return %arg0, %c0_i32 : i32, i32
  }
}

module attributes {stable_mosaic.version = 14 : i64} {
  func.func @_scale_body(%arg0: i32, %arg1: memref<1024x1xf32, #tpu.memory_space<vmem>>, %arg2: memref<1024x1xf32, #tpu.memory_space<vmem>>, %arg3: memref<1024x128xf32, #tpu.memory_space<vmem>>, %arg4: memref<1024x128xf32, #tpu.memory_space<vmem>>, %arg5: memref<1024x1xf32, #tpu.memory_space<vmem>>) attributes {dimension_semantics = [#tpu.dimension_semantics<arbitrary>], iteration_bounds = array<i64: 10>, scalar_prefetch = 0 : i64, scratch_operands = 0 : i64, tpu.core_type = #tpu.core_type<tc>, window_params = [{transform_indices = @transform_0, window_bounds = array<i64: 1024, 1>}, {transform_indices = @transform_1, window_bounds = array<i64: 1024, 1>}, {transform_indices = @transform_2, window_bounds = array<i64: 1024, 128>}, {transform_indices = @transform_3, window_bounds = array<i64: 1024, 128>}, {transform_indices = @transform_4, window_bounds = array<i64: 1024, 1>}]} {
    %get3A = arith.constant 0 : index
    %get3A_0 = arith.constant 0 : index
    %get3A_1 = vector.load %arg1[%get3A, %get3A_0] : memref<1024x1xf32, #tpu.memory_space<vmem>>, vector<1024x1xf32>
    %get3A_2 = arith.constant 0 : index
    %get3A_3 = arith.constant 0 : index
    %get3A_4 = vector.load %arg2[%get3A_2, %get3A_3] : memref<1024x1xf32, #tpu.memory_space<vmem>>, vector<1024x1xf32>
    %add3A = arith.addf %get3A_1, %get3A_4 : vector<1024x1xf32>
    %add3A_5 = arith.constant 1.000000e+00 : f32
    %add3A_6 = vector.broadcast %add3A_5 : f32 to vector<1024x1xf32>
    %add3A_7 = arith.addf %add3A, %add3A_6 : vector<1024x1xf32>
    %rsqrt3A = math.rsqrt %add3A_7 : vector<1024x1xf32>
    %get3A_8 = arith.constant 0 : index
    %get3A_9 = arith.constant 0 : index
    %get3A_10 = vector.load %arg3[%get3A_8, %get3A_9] : memref<1024x128xf32, #tpu.memory_space<vmem>>, vector<1024x128xf32>
    %mul3A = vector.broadcast %rsqrt3A : vector<1024x1xf32> to vector<1024x128xf32>
    %mul3A_11 = arith.mulf %get3A_10, %mul3A : vector<1024x128xf32>
    %swap3A = arith.constant 0 : index
    %swap3A_12 = arith.constant 0 : index
    %swap3A_13 = vector.load %arg4[%swap3A, %swap3A_12] : memref<1024x128xf32, #tpu.memory_space<vmem>>, vector<1024x128xf32>
    tpu.vector_store %arg4[%swap3A, %swap3A_12], %mul3A_11 {strides = array<i32>} : memref<1024x128xf32, #tpu.memory_space<vmem>>, vector<1024x128xf32>,
    %swap3A_14 = arith.constant 0 : index
    %swap3A_15 = arith.constant 0 : index
    %swap3A_16 = vector.load %arg5[%swap3A_14, %swap3A_15] : memref<1024x1xf32, #tpu.memory_space<vmem>>, vector<1024x1xf32>
    tpu.vector_store %arg5[%swap3A_14, %swap3A_15], %rsqrt3A {strides = array<i32>} : memref<1024x1xf32, #tpu.memory_space<vmem>>, vector<1024x1xf32>,
    return
  }
  func.func @transform_0(%arg0: i32) -> (i32, i32) {
    %c0_i32 = arith.constant 0 : i32
    %c0_i32_0 = arith.constant 0 : i32
    return %arg0, %c0_i32 : i32, i32
  }
  func.func @transform_1(%arg0: i32) -> (i32, i32) {
    %c0_i32 = arith.constant 0 : i32
    %c0_i32_0 = arith.constant 0 : i32
    return %arg0, %c0_i32 : i32, i32
  }
  func.func @transform_2(%arg0: i32) -> (i32, i32) {
    %c0_i32 = arith.constant 0 : i32
    %c0_i32_0 = arith.constant 0 : i32
    return %arg0, %c0_i32 : i32, i32
  }
  func.func @transform_3(%arg0: i32) -> (i32, i32) {
    %c0_i32 = arith.constant 0 : i32
    %c0_i32_0 = arith.constant 0 : i32
    return %arg0, %c0_i32 : i32, i32
  }
  func.func @transform_4(%arg0: i32) -> (i32, i32) {
    %c0_i32 = arith.constant 0 : i32
    %c0_i32_0 = arith.constant 0 : i32
    return %arg0, %c0_i32 : i32, i32
  }
}

module attributes {stable_mosaic.version = 14 : i64} {
  func.func @_layer2_body(%arg0: i32, %arg1: memref<1024x128xf32, #tpu.memory_space<vmem>>, %arg2: memref<1024x128xf32, #tpu.memory_space<vmem>>, %arg3: memref<1024x128xf32, #tpu.memory_space<vmem>>, %arg4: memref<1024x1xf32, #tpu.memory_space<vmem>>, %arg5: memref<1x128xf32, #tpu.memory_space<vmem>>, %arg6: memref<128x128xf32, #tpu.memory_space<vmem>>, %arg7: memref<1024x128xf32, #tpu.memory_space<vmem>>) attributes {dimension_semantics = [#tpu.dimension_semantics<arbitrary>], iteration_bounds = array<i64: 10>, scalar_prefetch = 0 : i64, scratch_operands = 0 : i64, tpu.core_type = #tpu.core_type<tc>, window_params = [{transform_indices = @transform_0, window_bounds = array<i64: 1024, 128>}, {transform_indices = @transform_1, window_bounds = array<i64: 1024, 128>}, {transform_indices = @transform_2, window_bounds = array<i64: 1024, 128>}, {transform_indices = @transform_3, window_bounds = array<i64: 1024, 1>}, {pipeline_mode = #tpu.pipeline_mode<synchronous>, transform_indices = @transform_4, window_bounds = array<i64: 1, 128>}, {pipeline_mode = #tpu.pipeline_mode<synchronous>, transform_indices = @transform_5, window_bounds = array<i64: 128, 128>}, {transform_indices = @transform_6, window_bounds = array<i64: 1024, 128>}]} {
    %get3A = arith.constant 0 : index
    %get3A_0 = arith.constant 0 : index
    %get3A_1 = vector.load %arg1[%get3A, %get3A_0] : memref<1024x128xf32, #tpu.memory_space<vmem>>, vector<1024x128xf32>
    %get3A_2 = arith.constant 0 : index
    %get3A_3 = arith.constant 0 : index
    %get3A_4 = vector.load %arg2[%get3A_2, %get3A_3] : memref<1024x128xf32, #tpu.memory_space<vmem>>, vector<1024x128xf32>
    %add3A = arith.addf %get3A_1, %get3A_4 : vector<1024x128xf32>
    %get3A_5 = arith.constant 0 : index
    %get3A_6 = arith.constant 0 : index
    %get3A_7 = vector.load %arg3[%get3A_5, %get3A_6] : memref<1024x128xf32, #tpu.memory_space<vmem>>, vector<1024x128xf32>
    %sub3A = arith.subf %add3A, %get3A_7 : vector<1024x128xf32>
    %get3A_8 = arith.constant 0 : index
    %get3A_9 = arith.constant 0 : index
    %get3A_10 = vector.load %arg4[%get3A_8, %get3A_9] : memref<1024x1xf32, #tpu.memory_space<vmem>>, vector<1024x1xf32>
    %mul3A = vector.broadcast %get3A_10 : vector<1024x1xf32> to vector<1024x128xf32>
    %mul3A_11 = arith.mulf %sub3A, %mul3A : vector<1024x128xf32>
    %get3A_12 = arith.constant 0 : index
    %get3A_13 = arith.constant 0 : index
    %get3A_14 = vector.load %arg5[%get3A_12, %get3A_13] : memref<1x128xf32, #tpu.memory_space<vmem>>, vector<1x128xf32>
    %add3A_15 = vector.broadcast %get3A_14 : vector<1x128xf32> to vector<1024x128xf32>
    %add3A_16 = arith.addf %mul3A_11, %add3A_15 : vector<1024x128xf32>
    %max3A = arith.constant 0.000000e+00 : f32
    %max3A_17 = vector.broadcast %max3A : f32 to vector<1024x128xf32>
    %max3A_18 = arith.maximumf %add3A_16, %max3A_17 : vector<1024x128xf32>
    %get3A_19 = arith.constant 0 : index
    %get3A_20 = arith.constant 0 : index
    %get3A_21 = vector.load %arg6[%get3A_19, %get3A_20] : memref<128x128xf32, #tpu.memory_space<vmem>>, vector<128x128xf32>
    %dot_general3A = arith.constant dense<0.000000e+00> : vector<1024x128xf32>
    %dot_general3A_22 = tpu.matmul %max3A_18, %get3A_21, %dot_general3A {dimension_numbers = #tpu.dot_dimension_numbers<[1], [0], [0], [1], [0, 0, 1, 1], [], []>, transpose_lhs_hint = false} : vector<1024x128xf32>, vector<128x128xf32>, vector<1024x128xf32> -> vector<1024x128xf32>
    %get3A_23 = arith.constant 0 : index
    %get3A_24 = arith.constant 0 : index
    %get3A_25 = vector.load %arg4[%get3A_23, %get3A_24] : memref<1024x1xf32, #tpu.memory_space<vmem>>, vector<1024x1xf32>
    %mul3A_26 = vector.broadcast %get3A_25 : vector<1024x1xf32> to vector<1024x128xf32>
    %mul3A_27 = arith.mulf %dot_general3A_22, %mul3A_26 : vector<1024x128xf32>
    %mul3A_28 = arith.constant 1024 : i32
    %mul3A_29 = arith.muli %arg0, %mul3A_28 : i32
    %iota3A = tpu.iota {dimensions = array<i32: 0>} : vector<1024x128xi32>
    %add3A_30 = vector.broadcast %mul3A_29 : i32 to vector<1024x128xi32>
    %add3A_31 = arith.addi %add3A_30, %iota3A : vector<1024x128xi32>
    %lt3A = arith.constant 10000 : i32
    %lt3A_32 = vector.broadcast %lt3A : i32 to vector<1024x128xi32>
    %lt3A_33 = arith.cmpi slt, %add3A_31, %lt3A_32 : vector<1024x128xi32>
    %jit3A = arith.constant 0.000000e+00 : f32
    %broadcast_in_dim3A = vector.broadcast %jit3A : f32 to vector<1024x128xf32>
    %select_n3A = arith.select %lt3A_33, %mul3A_27, %broadcast_in_dim3A : vector<1024x128xi1>, vector<1024x128xf32>
    %swap3A = arith.constant 0 : index
    %swap3A_34 = arith.constant 0 : index
    %swap3A_35 = vector.load %arg7[%swap3A, %swap3A_34] : memref<1024x128xf32, #tpu.memory_space<vmem>>, vector<1024x128xf32>
    tpu.vector_store %arg7[%swap3A, %swap3A_34], %select_n3A {strides = array<i32>} : memref<1024x128xf32, #tpu.memory_space<vmem>>, vector<1024x128xf32>,
    return
  }
  func.func @transform_0(%arg0: i32) -> (i32, i32) {
    %c0_i32 = arith.constant 0 : i32
    %c0_i32_0 = arith.constant 0 : i32
    return %arg0, %c0_i32 : i32, i32
  }
  func.func @transform_1(%arg0: i32) -> (i32, i32) {
    %c0_i32 = arith.constant 0 : i32
    %c0_i32_0 = arith.constant 0 : i32
    return %arg0, %c0_i32 : i32, i32
  }
  func.func @transform_2(%arg0: i32) -> (i32, i32) {
    %c0_i32 = arith.constant 0 : i32
    %c0_i32_0 = arith.constant 0 : i32
    return %arg0, %c0_i32 : i32, i32
  }
  func.func @transform_3(%arg0: i32) -> (i32, i32) {
    %c0_i32 = arith.constant 0 : i32
    %c0_i32_0 = arith.constant 0 : i32
    return %arg0, %c0_i32 : i32, i32
  }
  func.func @transform_4(%arg0: i32) -> (i32, i32) {
    %c0_i32 = arith.constant 0 : i32
    %c0_i32_0 = arith.constant 0 : i32
    %c0_i32_1 = arith.constant 0 : i32
    return %c0_i32, %c0_i32_0 : i32, i32
  }
  func.func @transform_5(%arg0: i32) -> (i32, i32) {
    %c0_i32 = arith.constant 0 : i32
    %c0_i32_0 = arith.constant 0 : i32
    %c0_i32_1 = arith.constant 0 : i32
    return %c0_i32, %c0_i32_0 : i32, i32
  }
  func.func @transform_6(%arg0: i32) -> (i32, i32) {
    %c0_i32 = arith.constant 0 : i32
    %c0_i32_0 = arith.constant 0 : i32
    return %arg0, %c0_i32 : i32, i32
  }
}

module attributes {stable_mosaic.version = 14 : i64} {
  func.func @_head_body(%arg0: i32, %arg1: memref<1000x128xf32, #tpu.memory_space<vmem>>, %arg2: memref<1000x128xf32, #tpu.memory_space<vmem>>, %arg3: memref<1000x128xf32, #tpu.memory_space<vmem>>, %arg4: memref<1000x1xf32, #tpu.memory_space<vmem>>, %arg5: memref<1x128xf32, #tpu.memory_space<vmem>>, %arg6: memref<128x2xf32, #tpu.memory_space<vmem>>, %arg7: memref<1x2xf32, #tpu.memory_space<vmem>>, %arg8: memref<1000x2xf32, #tpu.memory_space<vmem>>) attributes {dimension_semantics = [#tpu.dimension_semantics<arbitrary>], iteration_bounds = array<i64: 10>, scalar_prefetch = 0 : i64, scratch_operands = 0 : i64, tpu.core_type = #tpu.core_type<tc>, window_params = [{transform_indices = @transform_0, window_bounds = array<i64: 1000, 128>}, {transform_indices = @transform_1, window_bounds = array<i64: 1000, 128>}, {transform_indices = @transform_2, window_bounds = array<i64: 1000, 128>}, {transform_indices = @transform_3, window_bounds = array<i64: 1000, 1>}, {pipeline_mode = #tpu.pipeline_mode<synchronous>, transform_indices = @transform_4, window_bounds = array<i64: 1, 128>}, {pipeline_mode = #tpu.pipeline_mode<synchronous>, transform_indices = @transform_5, window_bounds = array<i64: 128, 2>}, {pipeline_mode = #tpu.pipeline_mode<synchronous>, transform_indices = @transform_6, window_bounds = array<i64: 1, 2>}, {transform_indices = @transform_7, window_bounds = array<i64: 1000, 2>}]} {
    %get3A = arith.constant 0 : index
    %get3A_0 = arith.constant 0 : index
    %get3A_1 = vector.load %arg1[%get3A, %get3A_0] : memref<1000x128xf32, #tpu.memory_space<vmem>>, vector<1000x128xf32>
    %get3A_2 = arith.constant 0 : index
    %get3A_3 = arith.constant 0 : index
    %get3A_4 = vector.load %arg2[%get3A_2, %get3A_3] : memref<1000x128xf32, #tpu.memory_space<vmem>>, vector<1000x128xf32>
    %add3A = arith.addf %get3A_1, %get3A_4 : vector<1000x128xf32>
    %get3A_5 = arith.constant 0 : index
    %get3A_6 = arith.constant 0 : index
    %get3A_7 = vector.load %arg3[%get3A_5, %get3A_6] : memref<1000x128xf32, #tpu.memory_space<vmem>>, vector<1000x128xf32>
    %sub3A = arith.subf %add3A, %get3A_7 : vector<1000x128xf32>
    %get3A_8 = arith.constant 0 : index
    %get3A_9 = arith.constant 0 : index
    %get3A_10 = vector.load %arg4[%get3A_8, %get3A_9] : memref<1000x1xf32, #tpu.memory_space<vmem>>, vector<1000x1xf32>
    %mul3A = vector.broadcast %get3A_10 : vector<1000x1xf32> to vector<1000x128xf32>
    %mul3A_11 = arith.mulf %sub3A, %mul3A : vector<1000x128xf32>
    %get3A_12 = arith.constant 0 : index
    %get3A_13 = arith.constant 0 : index
    %get3A_14 = vector.load %arg5[%get3A_12, %get3A_13] : memref<1x128xf32, #tpu.memory_space<vmem>>, vector<1x128xf32>
    %add3A_15 = vector.broadcast %get3A_14 : vector<1x128xf32> to vector<1000x128xf32>
    %add3A_16 = arith.addf %mul3A_11, %add3A_15 : vector<1000x128xf32>
    %max3A = arith.constant 0.000000e+00 : f32
    %max3A_17 = vector.broadcast %max3A : f32 to vector<1000x128xf32>
    %max3A_18 = arith.maximumf %add3A_16, %max3A_17 : vector<1000x128xf32>
    %get3A_19 = arith.constant 0 : index
    %get3A_20 = arith.constant 0 : index
    %get3A_21 = vector.load %arg6[%get3A_19, %get3A_20] : memref<128x2xf32, #tpu.memory_space<vmem>>, vector<128x2xf32>
    %dot_general3A = arith.constant dense<0.000000e+00> : vector<1000x2xf32>
    %dot_general3A_22 = tpu.matmul %max3A_18, %get3A_21, %dot_general3A {dimension_numbers = #tpu.dot_dimension_numbers<[1], [0], [0], [1], [0, 0, 1, 1], [], []>, transpose_lhs_hint = false} : vector<1000x128xf32>, vector<128x2xf32>, vector<1000x2xf32> -> vector<1000x2xf32>
    %get3A_23 = arith.constant 0 : index
    %get3A_24 = arith.constant 0 : index
    %get3A_25 = vector.load %arg7[%get3A_23, %get3A_24] : memref<1x2xf32, #tpu.memory_space<vmem>>, vector<1x2xf32>
    %add3A_26 = vector.broadcast %get3A_25 : vector<1x2xf32> to vector<1000x2xf32>
    %add3A_27 = arith.addf %dot_general3A_22, %add3A_26 : vector<1000x2xf32>
    %swap3A = arith.constant 0 : index
    %swap3A_28 = arith.constant 0 : index
    %swap3A_29 = vector.load %arg8[%swap3A, %swap3A_28] : memref<1000x2xf32, #tpu.memory_space<vmem>>, vector<1000x2xf32>
    tpu.vector_store %arg8[%swap3A, %swap3A_28], %add3A_27 {strides = array<i32>} : memref<1000x2xf32, #tpu.memory_space<vmem>>, vector<1000x2xf32>,
    return
  }
  func.func @transform_0(%arg0: i32) -> (i32, i32) {
    %c0_i32 = arith.constant 0 : i32
    %c0_i32_0 = arith.constant 0 : i32
    return %arg0, %c0_i32 : i32, i32
  }
  func.func @transform_1(%arg0: i32) -> (i32, i32) {
    %c0_i32 = arith.constant 0 : i32
    %c0_i32_0 = arith.constant 0 : i32
    return %arg0, %c0_i32 : i32, i32
  }
  func.func @transform_2(%arg0: i32) -> (i32, i32) {
    %c0_i32 = arith.constant 0 : i32
    %c0_i32_0 = arith.constant 0 : i32
    return %arg0, %c0_i32 : i32, i32
  }
  func.func @transform_3(%arg0: i32) -> (i32, i32) {
    %c0_i32 = arith.constant 0 : i32
    %c0_i32_0 = arith.constant 0 : i32
    return %arg0, %c0_i32 : i32, i32
  }
  func.func @transform_4(%arg0: i32) -> (i32, i32) {
    %c0_i32 = arith.constant 0 : i32
    %c0_i32_0 = arith.constant 0 : i32
    %c0_i32_1 = arith.constant 0 : i32
    return %c0_i32, %c0_i32_0 : i32, i32
  }
  func.func @transform_5(%arg0: i32) -> (i32, i32) {
    %c0_i32 = arith.constant 0 : i32
    %c0_i32_0 = arith.constant 0 : i32
    %c0_i32_1 = arith.constant 0 : i32
    return %c0_i32, %c0_i32_0 : i32, i32
  }
  func.func @transform_6(%arg0: i32) -> (i32, i32) {
    %c0_i32 = arith.constant 0 : i32
    %c0_i32_0 = arith.constant 0 : i32
    %c0_i32_1 = arith.constant 0 : i32
    return %c0_i32, %c0_i32_0 : i32, i32
  }
  func.func @transform_7(%arg0: i32) -> (i32, i32) {
    %c0_i32 = arith.constant 0 : i32
    %c0_i32_0 = arith.constant 0 : i32
    return %arg0, %c0_i32 : i32, i32
  }
}

</mosaic_0001>

<sc_bundles>
// kernel: kernel.12.cloned.1.call-start
scs
__scs_entry_jumppad:
0x0: {  	(pc) =	sbr.rel $0x88, $3  }
0x1: {  	(tag) =	ssettag $0x0;
	lr =	simm.s32 $0x1  }
0x2: {  	[smem:$0x3F99] =	sst lr;
	_ =	strace $0xD0000000  }
0x3: {  	_ = 	snop  }
0x4: {  	_ = 	snop  }
0x5: {  	_ = 	snop  }
0x6: {  	_ = 	snop  }
0x7: {  	_ = 	snop  }
__scs_overlays_trampoline_lowered:
0x8: {  	[smem:$0x3FA8] =	sst s0  }
0x9: {  	[smem:$0x3FA9] =	sst s1  }
0xa: {  	[smem:$0x3FAA] =	sst s2  }
0xb: {  	[smem:$0x3FAB] =	sst s3  }
0xc: {  	[smem:$0x3FAC] =	sst s4  }
0xd: {  	[smem:$0x3FAD] =	sst s5  }
0xe: {  	[smem:$0x3FAE] =	sst s6  }
0xf: {  	[smem:$0x3FAF] =	sst s7  }
0x10: {  	[smem:$0x3FB0] =	sst s8  }
0x11: {  	[smem:$0x3FB1] =	sst s9;
	s0 =	simm.s32 @!p0 $0x0  }
0x12: {  	s1 =	sld [smem:$0x3F97];
	s0 =	simm.s32 @p0 $0x1  }
0x13: {  	[smem:$0x3FB2] =	sst s0;
	s0 =	simm.s32 @!p1 $0x0  }
0x14: {  	s2 =	sld [smem:$0x3F96];
	s0 =	simm.s32 @p1 $0x1  }
0x15: {  	[smem:$0x3FB3] =	sst s0;
	s0 =	simm.s32 @!p2 $0x0  }
0x16: {  	s3 =	sld [smem:$0x3FDB];
	s0 =	simm.s32 @p2 $0x1  }
0x17: {  	s4 =	simm.s32 $0x1BF5;
	[smem:$0x3FB5] =	sst s0  }
0x18: {  	s0 =	sld [smem:$0x3F98];
	_ =	swait.ge [sflag:s4], $0x0  }
0x19: {  	s7 =	sld [smem:$0x3F99]  }
0x1a: {  	s8 =	sadd.s32 $0xFFFFE003, lr  }
0x1b: {  	s9 =	sadd.s32 $0xFFFFFEF7, lr;
	s5 =	simm.s32 $0xFFFFFFFF;
	p2 =	slt.u32 s8, $0xFFFFF086  }
0x1c: {  	p1 =	slt.u32 s9, $0xF7A;
	s5 =	simm.s32 @!p2 $0x0  }
0x1d: {  	s5 =	simm.s32 @p1 $0x1;
	p0 =	seq.s32 s7, s2  }
0x1e: {  	s7 =	smul.u32 @!p0 $0xF7A, s2;
	p2 =	seq.s32 @!p0 s5, $0x0  }
0x1f: {  	s9 =	smul.u32 $0xF7A, s1;
	s8 =	simm.s32 @!p0 $0x1BF5;
	p2 =	por !p2, p0  }
0x20: {  	[sflag:s8] =	ssyncset.s32 @!p0 $0xFFFFF086;
	s6 =	sadd.s32 @!p0 s3, s7;
	s7 =	simm.s32 @!p0 $0x108  }
0x21: {  	s3 =	sadd.s32 s3, s9;
	s6 =	sadd.s32 @!p0 $0x88, s6;
	s7 =	simm.s32 @p2 $0x1082  }
0x22: {  	[simem:s7], [sflag:s8] =	dma.local @!p0 [hbm:s6], $0xF7A  }
0x23: {  	s9 =	sor.u32 $0xD0000000, s2;
	s6 =	simm.s32 $0x108;
	_ =	swait.ge @!p0 [sflag:s8], $0x0  }
0x24: {  	s3 =	sadd.s32 $0x88, s3;
	s6 =	simm.s32 @!p1 $0x1082;
	[sflag:s4] =	ssyncset.s32 $0xFFFFF086  }
0x25: {  	[simem:s6], [sflag:s4] =	dma.local [hbm:s3], $0xF7A  }
0x26: {  	[smem:$0x3F99] =	sst s1;
	(tag) =	ssettag s2;
	_ =	strace s9  }
0x27: {  	s1 =	sld [smem:$0x3FA9]  }
0x28: {  	s2 =	sld [smem:$0x3FAA]  }
0x29: {  	s4 =	sld [smem:$0x3FAC]  }
0x2a: {  	p0 =	seq.s32 s5, $0x0;
	s5 =	sld [smem:$0x3FAD]  }
0x2b: {  	s6 =	sld [smem:$0x3FAE]  }
0x2c: {  	s7 =	sld [smem:$0x3FAF]  }
0x2d: {  	s3 =	simm.s32 $0x108;
	s8 =	sld [smem:$0x3FB0]  }
0x2e: {  	s3 =	simm.s32 @!p0 $0x1082;
	s9 =	sld [smem:$0x3FB1]  }
0x2f: {  	lr =	sadd.s32 s0, s3;
	s0 =	sld [smem:$0x3FA8]  }
0x30: {  	s3 =	sld [smem:$0x3FAB]  }
0x31: {  	[smem:$0x3FB4] =	sst s10  }
0x32: {  	s10 =	sld [smem:$0x3FB2];
	_ =	sdelay $0x3  }
0x33: {  	p0 =	seq.s32 s10, $0x1;
	s10 =	sld [smem:$0x3FB4];
	_ =	sdelay $0x3  }
0x34: {  	[smem:$0x3FB4] =	sst s10  }
0x35: {  	s10 =	sld [smem:$0x3FB3];
	_ =	sdelay $0x3  }
0x36: {  	p1 =	seq.s32 s10, $0x1;
	s10 =	sld [smem:$0x3FB4];
	_ =	sdelay $0x3  }
0x37: {  	[smem:$0x3FB4] =	sst s10  }
0x38: {  	s10 =	sld [smem:$0x3FB5]  }
0x39: {  	_ = 	snop;
	(pc) =	sbr.ind lr, $3  }
0x3a: {  	_ = 	snop  }
0x3b: {  	_ = 	snop  }
0x3c: {  	p2 =	seq.s32 s10, $0x1;
	s10 =	sld [smem:$0x3FB4]  }
0x3d: {  	_ =	shalt  }
0x3e: {  	_ =	shalt  }
0x3f: {  	_ =	shalt  }
0x40: {  	_ =	shalt  }
0x41: {  	_ =	shalt  }
0x42: {  	_ =	shalt  }
0x43: {  	_ =	shalt  }
0x44: {  	_ =	shalt  }
0x45: {  	_ =	shalt  }
0x46: {  	_ =	shalt  }
0x47: {  	_ =	shalt  }
0x48: {  	_ =	shalt  }
0x49: {  	_ =	shalt  }
0x4a: {  	_ =	shalt  }
0x4b: {  	_ =	shalt  }
0x4c: {  	_ =	shalt  }
0x4d: {  	_ =	shalt  }
0x4e: {  	_ =	shalt  }
0x4f: {  	_ =	shalt  }
0x50: {  	_ =	shalt  }
0x51: {  	_ =	shalt  }
0x52: {  	_ =	shalt  }
0x53: {  	_ =	shalt  }
0x54: {  	_ =	shalt  }
0x55: {  	_ =	shalt  }
0x56: {  	_ =	shalt  }
0x57: {  	_ =	shalt  }
0x58: {  	_ =	shalt  }
0x59: {  	_ =	shalt  }
0x5a: {  	_ =	shalt  }
0x5b: {  	_ =	shalt  }
0x5c: {  	_ =	shalt  }
0x5d: {  	_ =	shalt  }
0x5e: {  	_ =	shalt  }
0x5f: {  	_ =	shalt  }
0x60: {  	_ =	shalt  }
0x61: {  	_ =	shalt  }
0x62: {  	_ =	shalt  }
0x63: {  	_ =	shalt  }
0x64: {  	_ =	shalt  }
0x65: {  	_ =	shalt  }
0x66: {  	_ =	shalt  }
0x67: {  	_ =	shalt  }
0x68: {  	_ =	shalt  }
0x69: {  	_ =	shalt  }
0x6a: {  	_ =	shalt  }
0x6b: {  	_ =	shalt  }
0x6c: {  	_ =	shalt  }
0x6d: {  	_ =	shalt  }
0x6e: {  	_ =	shalt  }
0x6f: {  	_ =	shalt  }
0x70: {  	_ =	shalt  }
0x71: {  	_ =	shalt  }
0x72: {  	_ =	shalt  }
0x73: {  	_ =	shalt  }
0x74: {  	_ =	shalt  }
0x75: {  	_ =	shalt  }
0x76: {  	_ =	shalt  }
0x77: {  	_ =	shalt  }
0x78: {  	_ =	shalt  }
0x79: {  	_ =	shalt  }
0x7a: {  	_ =	shalt  }
0x7b: {  	_ =	shalt  }
0x7c: {  	_ =	shalt  }
0x7d: {  	_ =	shalt  }
0x7e: {  	_ =	shalt  }
0x7f: {  	_ =	shalt  }
0x80: {  	_ =	shalt  }
0x81: {  	_ =	shalt  }
0x82: {  	_ =	shalt  }
0x83: {  	_ =	shalt  }
0x84: {  	_ =	shalt  }
0x85: {  	_ =	shalt  }
0x86: {  	_ =	shalt  }
0x87: {  	_ =	shalt  }
.Lfunc_end0:
.L_simem_size_0:
called_computation.1_lowered:
.L_overlay_start_0:
0x88: {  	s2 =	sld [smem:$0x3FD9]  }
0x89: {  	s3 =	sld [smem:$0x3FFE];
	_ =	sdelay $0x1  }
0x8a: {  	s1 =	srdreg.scid  }
0x8b: {  	s0 =	sand.u32 $0x1, s1  }
0x8c: {  	s16 =	sshll.u32 s0, $0xA;
	s2 =	sadd.s32 s3, s2  }
0x8d: {  	s2 =	sadd.s32 s2, s16  }
0x8e: {  	[smem:$0x3FC0] =	sst s2  }
0x8f: {  	_ = 	snop  }
0x90: {  	(tm) =	ssettm $0x1  }
0x91: {  	s17 =	sld [smem:$0x3FFB];
	_ =	sdelay $0x3  }
0x92: {  	_ =	strace s17  }
0x93: {  	s2 =	sld [smem:$0x3FFC];
	_ =	sdelay $0x3  }
0x94: {  	_ =	strace s2  }
0x95: {  	s2 =	sld [smem:$0x3FFD];
	_ =	sdelay $0x3  }
0x96: {  	_ =	strace s2  }
0x97: {  	_ =	strace $0x8FFFFFFF  }
0x98: {  	s18 =	sld [smem:$0x3FDB];
	_ =	sdelay $0x1  }
0x99: {  	s19 =	simm.s32 $_scs_section_size  }
0x9a: {  	s4 =	simm.s32 $_size__tile_overlayer_lowered;
	s5 =	simm.s32 $_tile_overlayer_lowered  }
0x9b: {  	s22 =	simm.s32 $0x1BFF;
	s21 =	sshll.u32 s5, $0x1;
	s2 =	sadd.s32 s19, s18  }
0x9c: {  	s6 =	simm.s32 $0x0;
	s20 =	sshll.u32 s4, $0x1;
	s4 =	sadd.s32 s21, s2  }
0x9d: {  	[timem:s6], [sflag:s22] =	dma.local [hbm:s4], s20  }
0x9e: {  	_ =	swait.ge [sflag:s22], s20  }
0x9f: {  	s3 =	ssub.s32 $0x0, s20;
	[sflag:s22] =	ssyncset.done $0x0  }
0xa0: {  	[sflag:s22] =	ssyncadd.s32 s3;
	_ =	sdelay $0x1  }
0xa1: {  	s23 =	simm.s32 $0x1B8B  }
0xa2: {  	_ =	swait.ge [sflag:s23], $0x1  }
0xa3: {  	[sflag:s23] =	ssyncset.done $0x0  }
0xa4: {  	s25 =	simm.s32 $0x1B8E;
	s24 =	sld [smem:$0x3FFE];
	[sflag:s23] =	ssyncadd.s32 $0xFFFFFFFF  }
0xa5: {  	s26 =	simm.s32 $execute0_lowered;
	[smem:$0x3FD2] =	sst s25  }
0xa6: {  	s4 =	sshll.u32 s26, $0x1;
	_ =	strace $0x80000049;
	[dreg:$0x1] =	wrdreg $0xFFFFFFFF  }
0xa7: {  	s28 =	simm.s32 $_size_execute0_lowered;
	s2 =	sadd.s32 s2, s4;
	[dreg:$0x0] =	wrdreg $0x0  }
0xa8: {  	s4 =	sshll.u32 s28, $0x1;
	[dreg:$0x2] =	wrdreg s2  }
0xa9: {  	[dreg:$0x3] =	wrdreg s4  }
0xaa: {  	[dreg:$0x4] =	wrdreg $0xC0  }
0xab: {  	_ =	task [dreg:s6], $0x5FFFF  }
0xac: {  	[dreg:$0x1] =	wrdreg $0xFFFFFFFF  }
0xad: {  	[dreg:$0x0] =	wrdreg $0x60  }
0xae: {  	[dreg:$0x2] =	wrdreg s24  }
0xaf: {  	[dreg:$0x3] =	wrdreg $0x0  }
0xb0: {  	[dreg:$0x4] =	wrdreg $0x9  }
0xb1: {  	_ =	task.clear_ibuf [dreg:s6], $0x5FFFF;
	_ =	strace $0x90000049  }
0xb2: {  	s29 =	simm.s32 $0x9;
	_ =	strace $0x8000004B  }
0xb3: {  	_ =	swait.ge [sflag:s29], $0x1  }
0xb4: {  	[sflag:s29] =	ssyncadd.s32 $0xFFFFFFFF  }
0xb5: {  	_ =	strace $0x9000004B  }
0xb6: {  	_ =	sfence  }
0xb7: {  	s30 =	sld [smem:$0x0];
	_ =	sdelay $0x2  }
0xb8: {  	s31 =	sshll.u32 s1, $0xD;
	s1 =	sshrl.u32 s1, $0x2  }
0xb9: {  	s3 =	sand.u32 $0x4000, s31;
	s1 =	sadd.s32 s1, s30  }
0xba: {  	s0 =	sor.u32 s3, s0;
	s1 =	sshll.u32 s1, $0x11  }
0xbb: {  	s0 =	sor.u32 s1, s0  }
0xbc: {  	s0 =	sadd.s32 $0x8F2B, s0  }
0xbd: {  	[sflag:s0] =	ssyncadd.remote.s32 $0x1  }
0xbe: {  	_ =	sfence.sel $0xFFFF  }
0xbf: {  	[dreg:$0x0] =	wrdreg $0xFFFFFFFF;
	(pc) =	sbr.abs _section_cstart, $3  }
0xc0: {  	[dreg:$0x1] =	wrdreg $0xFFFFFFFF  }
0xc1: {  	_ =	task.clear_ibuf [dreg:s6], $0x2FFFF;
	_ =	strace $0x9FFFFFFF  }
0xc2: {  	(tm) =	ssettm $0x7FFFFFFF  }
0xc3: {  	_ =	shalt  }
tec
execute0_lowered:
.L_overlay_start_1:
0x0: {  	(tag) =	ssettag $0x1  }
0x1: {  	s11 =	rddreg [dreg:$0x0]  }
0x2: {  	s1 =	rddreg [dreg:$0x1]  }
0x3: {  	s0 =	rddreg [dreg:$0x2]  }
0x4: {  	s2 =	simm.s32 $0x0;
	s5 =	srdreg.scid;
	s3 =	stileid.u32  }
0x5: {  	s17 =	simm.s32 $0x90400;
	s18 =	simm.s32 $0x16800;
	s19 =	simm.s32 $0x14080  }
0x6: {  	s20 =	simm.s32 $0x1A800;
	s21 =	simm.s32 $0x1;
	s22 =	simm.s32 $0x2  }
0x7: {  	s23 =	simm.s32 $0x16700;
	s24 =	simm.s32 $0x16780;
	s25 =	simm.s32 $0x0  }
0x8: {  	[smem:$0x7FF] =	sst s2;
	s4 =	sadd.s32 $0x18400, s11;
	s9 =	sadd.s32 $0x4400, s11  }
0x9: {  	s10 =	sadd.s32 $0xE400, s11;
	s8 =	sand.u32 $0x1, s5;
	s7 =	smul.u32 $0x50000, s3  }
0xa: {  	s13 =	smul.u32 $0x2800, s3;
	s29 =	sshll.u32 s3, $0x6;
	_ =	strace $0x8000004A  }
0xb: {  	s5 =	ssub.s32 $0x2, s8;
	s6 =	sshll.u32 s8, $0x4;
	p0 =	seq.s32 s8, $0x1  }
0xc: {  	s12 =	sshrl.u32 s5, $0x1;
	s6 =	sor.u32 s3, s6;
	s28 =	sshrl.u32 s7, $0x2  }
0xd: {  	s17 =	simm.s32 @!p0 $0x68400;
	s12 =	ssub.s32 s5, s12;
	s14 =	smul.u32 $0x500, s6  }
0xe: {  	s15 =	sadd.s32 s28, s1;
	s16 =	smul.u32 $0x2800, s6;
	s5 =	sadd.s32 s4, s13  }
0xf: {  	s6 =	sor.u32 $0x1C03, s29;
	s31 =	sadd.s32 s17, s11;
	s17 =	simm.s32 $0x80  }
0x10: {  	s11 =	smax.u32 s12, $0x1;
	s12 =	sadd.s32 s31, s13;
	s13 =	sshrl.u32 s15, $0x3  }
0x11: {  	s15 =	simm.s32 $0x14000;
	s7 =	sadd.s32 s9, s14;
	s16 =	sshrl.u32 s16, $0x3  }
0x12: {  	s8 =	sadd.s32 s10, s14;
	s14 =	simm.s32 $0x3;
	s30 =	sadd.s32 $0x280, s16  }
0x13: {  	s16 =	simm.s32 $0x15400;
	s9 =	sadd.s32 s9, s30;
	s10 =	sadd.s32 s10, s30  }
.LBB2_1:
0x14: {  	[spmem:s13], [sflag:s6] =	dma.local [hbm:s5], $0x2800  }
0x15: {  	_ =	swait.ge [sflag:s14], $0x2800  }
0x16: {  	[sflag:s14] =	ssyncset.done $0x0  }
0x17: {  	[sflag:s14] =	ssyncadd.s32 $0xFFFFD800  }
0x18: {  	[tilespmem:s15], [sflag:$0x3] =	stream.linear.gather [hbm4b:s7+s2], $0x1400, $0x38;
	[tilespmem:$0x1E800] =	vst v63  }
0x19: {  	_ =	swait.ge [sflag:s14], $0x1400  }
0x1a: {  	[sflag:s14] =	ssyncset.done $0x0  }
0x1b: {  	[sflag:s14] =	ssyncadd.s32 $0xFFFFEC00  }
0x1c: {  	[tilespmem:s16], [sflag:$0x3] =	stream.linear.gather [hbm4b:s8+s2], $0x1400, $0x38;
	[tilespmem:$0x1E800] =	vst v63  }
0x1d: {  	_ =	swait.ge [sflag:s14], $0x1400  }
0x1e: {  	[sflag:s14] =	ssyncset.done $0x0  }
0x1f: {  	[sflag:s14] =	ssyncadd.s32 $0xFFFFEC00  }
0x20: {  	[bflag:$0x0] =	sbarrier.arrive $0xFFFF  }
0x21: {  	[tilespmem:s18], [sflag:$0x1] =	stream.indirect.gather [hbm4b:s4+s17], $0x80, s15, s17, $0xb8;
	[tilespmem:$0x1E800] =	vst v63  }
0x22: {  	_ = 	snop  }
0x23: {  	[tilespmem:s20], [sflag:$0x2] =	stream.indirect.gather [hbm4b:s4+s17], $0x80, s19, s17, $0xb8;
	[tilespmem:$0x1E800] =	vst v63  }
0x24: {  	_ =	swait.ge [sflag:s21], $0x4000  }
0x25: {  	[sflag:s21] =	ssyncset.done $0x0  }
0x26: {  	s26 =	simm.s32 $0x15400;
	[sflag:s21] =	ssyncadd.s32 $0xFFFFC000  }
0x27: {  	[spmem:s1] =	stream.indirect.scatter.add.f32 [tilespmem:s18], [sflag:$0x3], $0x80, s26, s17, $0xb8;
	[tilespmem:$0x1E800] =	vst v63  }
0x28: {  	_ =	swait.ge [sflag:s14], $0x4000  }
0x29: {  	[sflag:s14] =	ssyncset.done $0x0  }
0x2a: {  	s30 =	simm.s32 $0x14100;
	[sflag:s14] =	ssyncadd.s32 $0xFFFFC000  }
0x2b: {  	[tilespmem:s18], [sflag:$0x1] =	stream.indirect.gather [hbm4b:s4+s17], $0x80, s30, s17, $0xb8;
	[tilespmem:$0x1E800] =	vst v63  }
0x2c: {  	_ =	swait.ge [sflag:s22], $0x4000  }
0x2d: {  	[sflag:s22] =	ssyncset.done $0x0  }
0x2e: {  	s31 =	simm.s32 $0x15480;
	[sflag:s22] =	ssyncadd.s32 $0xFFFFC000  }
0x2f: {  	[spmem:s1] =	stream.indirect.scatter.add.f32 [tilespmem:s20], [sflag:$0x3], $0x80, s31, s17, $0xb8;
	[tilespmem:$0x1E800] =	vst v63  }
0x30: {  	_ =	swait.ge [sflag:s14], $0x4000  }
0x31: {  	[sflag:s14] =	ssyncset.done $0x0  }
0x32: {  	s28 =	simm.s32 $0x14180;
	s26 =	simm.s32 $0x400;
	[sflag:s14] =	ssyncadd.s32 $0xFFFFC000  }
.LBB2_2:
0x33: {  	[tilespmem:s20], [sflag:$0x2] =	stream.indirect.gather [hbm4b:s4+s17], $0x80, s28, s17, $0xb8;
	[tilespmem:$0x1E800] =	vst v63  }
0x34: {  	s28 =	smov.u32 s26  }
0x35: {  	p0 =	sne.s32 s26, $0x4800;
	s26 =	sadd.s32 $0x400, s26;
	_ =	swait.ge [sflag:s21], $0x4000  }
0x36: {  	s28 =	sshra.s32 s28, $0x2;
	[sflag:s21] =	ssyncset.done $0x0  }
0x37: {  	s29 =	sadd.s32 $0x15400, s28;
	[sflag:s21] =	ssyncadd.s32 $0xFFFFC000  }
0x38: {  	[spmem:s1] =	stream.indirect.scatter.add.f32 [tilespmem:s18], [sflag:$0x3], $0x80, s29, s17, $0xb8;
	[tilespmem:$0x1E800] =	vst v63  }
0x39: {  	_ =	swait.ge [sflag:s14], $0x4000  }
0x3a: {  	[sflag:s14] =	ssyncset.done $0x0  }
0x3b: {  	s29 =	sadd.s32 $0x14100, s28;
	[sflag:s14] =	ssyncadd.s32 $0xFFFFC000  }
0x3c: {  	[tilespmem:s18], [sflag:$0x1] =	stream.indirect.gather [hbm4b:s4+s17], $0x80, s29, s17, $0xb8;
	[tilespmem:$0x1E800] =	vst v63  }
0x3d: {  	_ =	swait.ge [sflag:s22], $0x4000  }
0x3e: {  	[sflag:s22] =	ssyncset.done $0x0  }
.Ltmp0:
0x3f: {  	s29 =	sadd.s32 $0x15480, s28;
	[sflag:s22] =	ssyncadd.s32 $0xFFFFC000;
	(pc) =	sbr.rel @p0 .LBB2_2-.Ltmp0, $4  }
0x40: {  	[spmem:s1] =	stream.indirect.scatter.add.f32 [tilespmem:s20], [sflag:$0x3], $0x80, s29, s17, $0xb8;
	[tilespmem:$0x1E800] =	vst v63  }
0x41: {  	_ =	swait.ge [sflag:s14], $0x4000  }
0x42: {  	[sflag:s14] =	ssyncset.done $0x0  }
0x43: {  	s28 =	sadd.s32 $0x14180, s28;
	[sflag:s14] =	ssyncadd.s32 $0xFFFFC000  }
0x44: {  	[tilespmem:s20], [sflag:$0x2] =	stream.indirect.gather [hbm4b:s4+s17], $0x80, s28, s17, $0xb8;
	[tilespmem:$0x1E800] =	vst v63  }
0x45: {  	_ =	swait.ge [sflag:s21], $0x4000  }
0x46: {  	[sflag:s21] =	ssyncset.done $0x0  }
0x47: {  	[sflag:s21] =	ssyncadd.s32 $0xFFFFC000  }
0x48: {  	[spmem:s1] =	stream.indirect.scatter.add.f32 [tilespmem:s18], [sflag:$0x3], $0x80, s23, s17, $0xb8;
	[tilespmem:$0x1E800] =	vst v63  }
0x49: {  	_ =	swait.ge [sflag:s14], $0x4000  }
0x4a: {  	[sflag:s14] =	ssyncset.done $0x0  }
0x4b: {  	[sflag:s14] =	ssyncadd.s32 $0xFFFFC000  }
0x4c: {  	_ =	swait.ge [sflag:s22], $0x4000  }
0x4d: {  	[sflag:s22] =	ssyncset.done $0x0  }
0x4e: {  	[sflag:s22] =	ssyncadd.s32 $0xFFFFC000  }
0x4f: {  	[spmem:s1] =	stream.indirect.scatter.add.f32 [tilespmem:s20], [sflag:$0x3], $0x80, s24, s17, $0xb8;
	[tilespmem:$0x1E800] =	vst v63  }
0x50: {  	_ =	swait.ge [sflag:s14], $0x4000  }
0x51: {  	[sflag:s14] =	ssyncset.done $0x0  }
0x52: {  	s26 =	simm.s32 $0x0;
	[sflag:s14] =	ssyncadd.s32 $0xFFFFC000  }
0x53: {  	[tilespmem:s15], [sflag:$0x3] =	stream.linear.gather [hbm4b:s9+s26], $0x1400, $0x38;
	[tilespmem:$0x1E800] =	vst v63  }
0x54: {  	_ =	swait.ge [sflag:s14], $0x1400  }
0x55: {  	[sflag:s14] =	ssyncset.done $0x0  }
0x56: {  	[sflag:s14] =	ssyncadd.s32 $0xFFFFEC00  }
0x57: {  	[tilespmem:s16], [sflag:$0x3] =	stream.linear.gather [hbm4b:s10+s26], $0x1400, $0x38;
	[tilespmem:$0x1E800] =	vst v63  }
0x58: {  	_ =	swait.ge [sflag:s14], $0x1400  }
0x59: {  	[sflag:s14] =	ssyncset.done $0x0  }
0x5a: {  	[sflag:s14] =	ssyncadd.s32 $0xFFFFEC00  }
0x5b: {  	[tilespmem:s18], [sflag:$0x1] =	stream.indirect.gather [hbm4b:s4+s17], $0x80, s15, s17, $0xb8;
	[tilespmem:$0x1E800] =	vst v63  }
0x5c: {  	_ = 	snop  }
0x5d: {  	[tilespmem:s20], [sflag:$0x2] =	stream.indirect.gather [hbm4b:s4+s17], $0x80, s19, s17, $0xb8;
	[tilespmem:$0x1E800] =	vst v63  }
0x5e: {  	_ =	swait.ge [sflag:s21], $0x4000  }
0x5f: {  	[sflag:s21] =	ssyncset.done $0x0  }
0x60: {  	s29 =	simm.s32 $0x15400;
	[sflag:s21] =	ssyncadd.s32 $0xFFFFC000  }
0x61: {  	[spmem:s1] =	stream.indirect.scatter.add.f32 [tilespmem:s18], [sflag:$0x3], $0x80, s29, s17, $0xb8;
	[tilespmem:$0x1E800] =	vst v63  }
0x62: {  	_ =	swait.ge [sflag:s14], $0x4000  }
0x63: {  	[sflag:s14] =	ssyncset.done $0x0  }
0x64: {  	s30 =	simm.s32 $0x14100;
	[sflag:s14] =	ssyncadd.s32 $0xFFFFC000  }
0x65: {  	[tilespmem:s18], [sflag:$0x1] =	stream.indirect.gather [hbm4b:s4+s17], $0x80, s30, s17, $0xb8;
	[tilespmem:$0x1E800] =	vst v63  }
0x66: {  	_ =	swait.ge [sflag:s22], $0x4000  }
0x67: {  	[sflag:s22] =	ssyncset.done $0x0  }
0x68: {  	s31 =	simm.s32 $0x15480;
	[sflag:s22] =	ssyncadd.s32 $0xFFFFC000  }
0x69: {  	[spmem:s1] =	stream.indirect.scatter.add.f32 [tilespmem:s20], [sflag:$0x3], $0x80, s31, s17, $0xb8;
	[tilespmem:$0x1E800] =	vst v63  }
0x6a: {  	_ =	swait.ge [sflag:s14], $0x4000  }
0x6b: {  	[sflag:s14] =	ssyncset.done $0x0  }
0x6c: {  	s28 =	simm.s32 $0x14180;
	s26 =	simm.s32 $0x400;
	[sflag:s14] =	ssyncadd.s32 $0xFFFFC000  }
.LBB2_4:
0x6d: {  	[tilespmem:s20], [sflag:$0x2] =	stream.indirect.gather [hbm4b:s4+s17], $0x80, s28, s17, $0xb8;
	[tilespmem:$0x1E800] =	vst v63  }
0x6e: {  	s28 =	smov.u32 s26  }
0x6f: {  	p0 =	sne.s32 s26, $0x4800;
	s26 =	sadd.s32 $0x400, s26;
	_ =	swait.ge [sflag:s21], $0x4000  }
0x70: {  	s28 =	sshra.s32 s28, $0x2;
	[sflag:s21] =	ssyncset.done $0x0  }
0x71: {  	s29 =	sadd.s32 $0x15400, s28;
	[sflag:s21] =	ssyncadd.s32 $0xFFFFC000  }
0x72: {  	[spmem:s1] =	stream.indirect.scatter.add.f32 [tilespmem:s18], [sflag:$0x3], $0x80, s29, s17, $0xb8;
	[tilespmem:$0x1E800] =	vst v63  }
0x73: {  	_ =	swait.ge [sflag:s14], $0x4000  }
0x74: {  	[sflag:s14] =	ssyncset.done $0x0  }
0x75: {  	s29 =	sadd.s32 $0x14100, s28;
	[sflag:s14] =	ssyncadd.s32 $0xFFFFC000  }
0x76: {  	[tilespmem:s18], [sflag:$0x1] =	stream.indirect.gather [hbm4b:s4+s17], $0x80, s29, s17, $0xb8;
	[tilespmem:$0x1E800] =	vst v63  }
0x77: {  	_ =	swait.ge [sflag:s22], $0x4000  }
0x78: {  	[sflag:s22] =	ssyncset.done $0x0  }
.Ltmp1:
0x79: {  	s29 =	sadd.s32 $0x15480, s28;
	[sflag:s22] =	ssyncadd.s32 $0xFFFFC000;
	(pc) =	sbr.rel @p0 .LBB2_4-.Ltmp1, $4  }
0x7a: {  	[spmem:s1] =	stream.indirect.scatter.add.f32 [tilespmem:s20], [sflag:$0x3], $0x80, s29, s17, $0xb8;
	[tilespmem:$0x1E800] =	vst v63  }
0x7b: {  	_ =	swait.ge [sflag:s14], $0x4000  }
0x7c: {  	[sflag:s14] =	ssyncset.done $0x0  }
0x7d: {  	s28 =	sadd.s32 $0x14180, s28;
	[sflag:s14] =	ssyncadd.s32 $0xFFFFC000  }
0x7e: {  	[tilespmem:s20], [sflag:$0x2] =	stream.indirect.gather [hbm4b:s4+s17], $0x80, s28, s17, $0xb8;
	[tilespmem:$0x1E800] =	vst v63  }
0x7f: {  	_ =	swait.ge [sflag:s21], $0x4000  }
0x80: {  	[sflag:s21] =	ssyncset.done $0x0  }
0x81: {  	[sflag:s21] =	ssyncadd.s32 $0xFFFFC000  }
0x82: {  	[spmem:s1] =	stream.indirect.scatter.add.f32 [tilespmem:s18], [sflag:$0x3], $0x80, s23, s17, $0xb8;
	[tilespmem:$0x1E800] =	vst v63  }
0x83: {  	_ =	swait.ge [sflag:s14], $0x4000  }
0x84: {  	[sflag:s14] =	ssyncset.done $0x0  }
0x85: {  	[sflag:s14] =	ssyncadd.s32 $0xFFFFC000  }
0x86: {  	_ =	swait.ge [sflag:s22], $0x4000  }
0x87: {  	[sflag:s22] =	ssyncset.done $0x0  }
0x88: {  	[sflag:s22] =	ssyncadd.s32 $0xFFFFC000  }
0x89: {  	[spmem:s1] =	stream.indirect.scatter.add.f32 [tilespmem:s20], [sflag:$0x3], $0x80, s24, s17, $0xb8;
	[tilespmem:$0x1E800] =	vst v63  }
0x8a: {  	_ =	swait.ge [sflag:s14], $0x4000  }
0x8b: {  	s25 =	sadd.s32 $0x1, s25;
	[sflag:s14] =	ssyncset.done $0x0  }
0x8c: {  	p0 =	sne.s32 s25, s11;
	[sflag:s14] =	ssyncadd.s32 $0xFFFFC000  }
.Ltmp2:
0x8d: {  	[bflag:$0x0] =	sbarrier.arrive $0xFFFF;
	(pc) =	sbr.rel @p0 .LBB2_1-.Ltmp2, $4  }
0x8e: {  	[hbm:s12], [sflag:s6] =	dma.local [spmem:s13], $0x2800  }
0x8f: {  	_ =	swait.ge [sflag:s14], $0x2800  }
0x90: {  	[sflag:s14] =	ssyncset.done $0x0  }
0x91: {  	[sflag:s14] =	ssyncadd.s32 $0xFFFFD800  }
0x92: {  	_ =	sfence.sel $0x180000  }
0x93: {  	[bflag:$0x0] =	sbarrier.arrive $0xFFFF  }
0x94: {  	p0 =	sne.s32 s3, $0x0;
	_ =	strace $0x9000004A  }
0x95: {  	s0 =	sadd.s32 @!p0 $0x100000, s0;
	[bflag:$0x2] =	sbarrier.arrive $0xFFFF  }
0x96: {  	[sflag:s0] =	ssyncadd.tile.s32 @!p0 $0x1;
	_ =	shalt  }
.Lfunc_end2:
_tile_overlayer_lowered:
.L_overlay_start_2:
0x97: {  	(tag) =	ssettag $0x2  }
0x98: {  	s0 =	rddreg [dreg:$0x0];
	s2 =	stileid.u32  }
0x99: {  	s1 =	rddreg [dreg:$0x1];
	p0 =	sne.s32 s2, $0x0  }
0x9a: {  	s3 =	rddreg [dreg:$0x2];
	[bflag:$0x3] =	sbarrier.arrive $0xFFFF;
	s2 =	simm.s32 @!p0 $0x1C03  }
0x9b: {  	[timem:s3], [sflag:s2] =	dma.local @!p0 [hbm:s0], s1  }
0x9c: {  	s0 =	simm.s32 @!p0 $0x3  }
0x9d: {  	_ =	swait.ge @!p0 [sflag:s0], s1  }
0x9e: {  	s1 =	ssub.s32 @!p0 $0x0, s1;
	[sflag:s0] =	ssyncset.done @!p0 $0x0  }
0x9f: {  	[sflag:s0] =	ssyncadd.s32 @!p0 s1  }
0xa0: {  	[bflag:$0x3] =	sbarrier.arrive $0xFFFF  }
0xa1: {  	_ =	shalt  }

// kernel: kernel.15.cloned.1.call-start
scs
__scs_entry_jumppad:
0x0: {  	(pc) =	sbr.rel $0x88, $3  }
0x1: {  	(tag) =	ssettag $0x0;
	lr =	simm.s32 $0x1  }
0x2: {  	[smem:$0x3F99] =	sst lr;
	_ =	strace $0xD0000000  }
0x3: {  	_ = 	snop  }
0x4: {  	_ = 	snop  }
0x5: {  	_ = 	snop  }
0x6: {  	_ = 	snop  }
0x7: {  	_ = 	snop  }
__scs_overlays_trampoline_lowered:
0x8: {  	[smem:$0x3FA8] =	sst s0  }
0x9: {  	[smem:$0x3FA9] =	sst s1  }
0xa: {  	[smem:$0x3FAA] =	sst s2  }
0xb: {  	[smem:$0x3FAB] =	sst s3  }
0xc: {  	[smem:$0x3FAC] =	sst s4  }
0xd: {  	[smem:$0x3FAD] =	sst s5  }
0xe: {  	[smem:$0x3FAE] =	sst s6  }
0xf: {  	[smem:$0x3FAF] =	sst s7  }
0x10: {  	[smem:$0x3FB0] =	sst s8  }
0x11: {  	[smem:$0x3FB1] =	sst s9;
	s0 =	simm.s32 @!p0 $0x0  }
0x12: {  	s1 =	sld [smem:$0x3F97];
	s0 =	simm.s32 @p0 $0x1  }
0x13: {  	[smem:$0x3FB2] =	sst s0;
	s0 =	simm.s32 @!p1 $0x0  }
0x14: {  	s2 =	sld [smem:$0x3F96];
	s0 =	simm.s32 @p1 $0x1  }
0x15: {  	[smem:$0x3FB3] =	sst s0;
	s0 =	simm.s32 @!p2 $0x0  }
0x16: {  	s3 =	sld [smem:$0x3FDB];
	s0 =	simm.s32 @p2 $0x1  }
0x17: {  	s4 =	simm.s32 $0x1BF5;
	[smem:$0x3FB5] =	sst s0  }
0x18: {  	s0 =	sld [smem:$0x3F98];
	_ =	swait.ge [sflag:s4], $0x0  }
0x19: {  	s7 =	sld [smem:$0x3F99]  }
0x1a: {  	s8 =	sadd.s32 $0xFFFFE003, lr  }
0x1b: {  	s9 =	sadd.s32 $0xFFFFFEF7, lr;
	s5 =	simm.s32 $0xFFFFFFFF;
	p2 =	slt.u32 s8, $0xFFFFF086  }
0x1c: {  	p1 =	slt.u32 s9, $0xF7A;
	s5 =	simm.s32 @!p2 $0x0  }
0x1d: {  	s5 =	simm.s32 @p1 $0x1;
	p0 =	seq.s32 s7, s2  }
0x1e: {  	s7 =	smul.u32 @!p0 $0xF7A, s2;
	p2 =	seq.s32 @!p0 s5, $0x0  }
0x1f: {  	s9 =	smul.u32 $0xF7A, s1;
	s8 =	simm.s32 @!p0 $0x1BF5;
	p2 =	por !p2, p0  }
0x20: {  	[sflag:s8] =	ssyncset.s32 @!p0 $0xFFFFF086;
	s6 =	sadd.s32 @!p0 s3, s7;
	s7 =	simm.s32 @!p0 $0x108  }
0x21: {  	s3 =	sadd.s32 s3, s9;
	s6 =	sadd.s32 @!p0 $0x88, s6;
	s7 =	simm.s32 @p2 $0x1082  }
0x22: {  	[simem:s7], [sflag:s8] =	dma.local @!p0 [hbm:s6], $0xF7A  }
0x23: {  	s9 =	sor.u32 $0xD0000000, s2;
	s6 =	simm.s32 $0x108;
	_ =	swait.ge @!p0 [sflag:s8], $0x0  }
0x24: {  	s3 =	sadd.s32 $0x88, s3;
	s6 =	simm.s32 @!p1 $0x1082;
	[sflag:s4] =	ssyncset.s32 $0xFFFFF086  }
0x25: {  	[simem:s6], [sflag:s4] =	dma.local [hbm:s3], $0xF7A  }
0x26: {  	[smem:$0x3F99] =	sst s1;
	(tag) =	ssettag s2;
	_ =	strace s9  }
0x27: {  	s1 =	sld [smem:$0x3FA9]  }
0x28: {  	s2 =	sld [smem:$0x3FAA]  }
0x29: {  	s4 =	sld [smem:$0x3FAC]  }
0x2a: {  	p0 =	seq.s32 s5, $0x0;
	s5 =	sld [smem:$0x3FAD]  }
0x2b: {  	s6 =	sld [smem:$0x3FAE]  }
0x2c: {  	s7 =	sld [smem:$0x3FAF]  }
0x2d: {  	s3 =	simm.s32 $0x108;
	s8 =	sld [smem:$0x3FB0]  }
0x2e: {  	s3 =	simm.s32 @!p0 $0x1082;
	s9 =	sld [smem:$0x3FB1]  }
0x2f: {  	lr =	sadd.s32 s0, s3;
	s0 =	sld [smem:$0x3FA8]  }
0x30: {  	s3 =	sld [smem:$0x3FAB]  }
0x31: {  	[smem:$0x3FB4] =	sst s10  }
0x32: {  	s10 =	sld [smem:$0x3FB2];
	_ =	sdelay $0x3  }
0x33: {  	p0 =	seq.s32 s10, $0x1;
	s10 =	sld [smem:$0x3FB4];
	_ =	sdelay $0x3  }
0x34: {  	[smem:$0x3FB4] =	sst s10  }
0x35: {  	s10 =	sld [smem:$0x3FB3];
	_ =	sdelay $0x3  }
0x36: {  	p1 =	seq.s32 s10, $0x1;
	s10 =	sld [smem:$0x3FB4];
	_ =	sdelay $0x3  }
0x37: {  	[smem:$0x3FB4] =	sst s10  }
0x38: {  	s10 =	sld [smem:$0x3FB5]  }
0x39: {  	_ = 	snop;
	(pc) =	sbr.ind lr, $3  }
0x3a: {  	_ = 	snop  }
0x3b: {  	_ = 	snop  }
0x3c: {  	p2 =	seq.s32 s10, $0x1;
	s10 =	sld [smem:$0x3FB4]  }
0x3d: {  	_ =	shalt  }
0x3e: {  	_ =	shalt  }
0x3f: {  	_ =	shalt  }
0x40: {  	_ =	shalt  }
0x41: {  	_ =	shalt  }
0x42: {  	_ =	shalt  }
0x43: {  	_ =	shalt  }
0x44: {  	_ =	shalt  }
0x45: {  	_ =	shalt  }
0x46: {  	_ =	shalt  }
0x47: {  	_ =	shalt  }
0x48: {  	_ =	shalt  }
0x49: {  	_ =	shalt  }
0x4a: {  	_ =	shalt  }
0x4b: {  	_ =	shalt  }
0x4c: {  	_ =	shalt  }
0x4d: {  	_ =	shalt  }
0x4e: {  	_ =	shalt  }
0x4f: {  	_ =	shalt  }
0x50: {  	_ =	shalt  }
0x51: {  	_ =	shalt  }
0x52: {  	_ =	shalt  }
0x53: {  	_ =	shalt  }
0x54: {  	_ =	shalt  }
0x55: {  	_ =	shalt  }
0x56: {  	_ =	shalt  }
0x57: {  	_ =	shalt  }
0x58: {  	_ =	shalt  }
0x59: {  	_ =	shalt  }
0x5a: {  	_ =	shalt  }
0x5b: {  	_ =	shalt  }
0x5c: {  	_ =	shalt  }
0x5d: {  	_ =	shalt  }
0x5e: {  	_ =	shalt  }
0x5f: {  	_ =	shalt  }
0x60: {  	_ =	shalt  }
0x61: {  	_ =	shalt  }
0x62: {  	_ =	shalt  }
0x63: {  	_ =	shalt  }
0x64: {  	_ =	shalt  }
0x65: {  	_ =	shalt  }
0x66: {  	_ =	shalt  }
0x67: {  	_ =	shalt  }
0x68: {  	_ =	shalt  }
0x69: {  	_ =	shalt  }
0x6a: {  	_ =	shalt  }
0x6b: {  	_ =	shalt  }
0x6c: {  	_ =	shalt  }
0x6d: {  	_ =	shalt  }
0x6e: {  	_ =	shalt  }
0x6f: {  	_ =	shalt  }
0x70: {  	_ =	shalt  }
0x71: {  	_ =	shalt  }
0x72: {  	_ =	shalt  }
0x73: {  	_ =	shalt  }
0x74: {  	_ =	shalt  }
0x75: {  	_ =	shalt  }
0x76: {  	_ =	shalt  }
0x77: {  	_ =	shalt  }
0x78: {  	_ =	shalt  }
0x79: {  	_ =	shalt  }
0x7a: {  	_ =	shalt  }
0x7b: {  	_ =	shalt  }
0x7c: {  	_ =	shalt  }
0x7d: {  	_ =	shalt  }
0x7e: {  	_ =	shalt  }
0x7f: {  	_ =	shalt  }
0x80: {  	_ =	shalt  }
0x81: {  	_ =	shalt  }
0x82: {  	_ =	shalt  }
0x83: {  	_ =	shalt  }
0x84: {  	_ =	shalt  }
0x85: {  	_ =	shalt  }
0x86: {  	_ =	shalt  }
0x87: {  	_ =	shalt  }
.Lfunc_end0:
.L_simem_size_0:
called_computation.2_lowered:
.L_overlay_start_0:
0x88: {  	s2 =	sld [smem:$0x3FD9]  }
0x89: {  	s3 =	sld [smem:$0x3FFE];
	_ =	sdelay $0x1  }
0x8a: {  	s1 =	srdreg.scid  }
0x8b: {  	s0 =	sand.u32 $0x1, s1  }
0x8c: {  	s16 =	sshll.u32 s0, $0xA;
	s2 =	sadd.s32 s3, s2  }
0x8d: {  	s2 =	sadd.s32 s2, s16  }
0x8e: {  	[smem:$0x3FC0] =	sst s2  }
0x8f: {  	_ = 	snop  }
0x90: {  	(tm) =	ssettm $0x1  }
0x91: {  	s17 =	sld [smem:$0x3FFB];
	_ =	sdelay $0x3  }
0x92: {  	_ =	strace s17  }
0x93: {  	s2 =	sld [smem:$0x3FFC];
	_ =	sdelay $0x3  }
0x94: {  	_ =	strace s2  }
0x95: {  	s2 =	sld [smem:$0x3FFD];
	_ =	sdelay $0x3  }
0x96: {  	_ =	strace s2  }
0x97: {  	_ =	strace $0x8FFFFFFF  }
0x98: {  	s18 =	sld [smem:$0x3FDB];
	_ =	sdelay $0x1  }
0x99: {  	s19 =	simm.s32 $_scs_section_size  }
0x9a: {  	s4 =	simm.s32 $_size__tile_overlayer_lowered;
	s5 =	simm.s32 $_tile_overlayer_lowered  }
0x9b: {  	s22 =	simm.s32 $0x1BFF;
	s21 =	sshll.u32 s5, $0x1;
	s2 =	sadd.s32 s19, s18  }
0x9c: {  	s6 =	simm.s32 $0x0;
	s20 =	sshll.u32 s4, $0x1;
	s4 =	sadd.s32 s21, s2  }
0x9d: {  	[timem:s6], [sflag:s22] =	dma.local [hbm:s4], s20  }
0x9e: {  	_ =	swait.ge [sflag:s22], s20  }
0x9f: {  	s3 =	ssub.s32 $0x0, s20;
	[sflag:s22] =	ssyncset.done $0x0  }
0xa0: {  	[sflag:s22] =	ssyncadd.s32 s3;
	_ =	sdelay $0x1  }
0xa1: {  	s23 =	simm.s32 $0x1B8B  }
0xa2: {  	_ =	swait.ge [sflag:s23], $0x1  }
0xa3: {  	[sflag:s23] =	ssyncset.done $0x0  }
0xa4: {  	s25 =	simm.s32 $0x1B8E;
	s24 =	sld [smem:$0x3FFE];
	[sflag:s23] =	ssyncadd.s32 $0xFFFFFFFF  }
0xa5: {  	s26 =	simm.s32 $execute0_lowered;
	[smem:$0x3FD2] =	sst s25  }
0xa6: {  	s4 =	sshll.u32 s26, $0x1;
	_ =	strace $0x8000004C;
	[dreg:$0x1] =	wrdreg $0xFFFFFFFF  }
0xa7: {  	s28 =	simm.s32 $_size_execute0_lowered;
	s2 =	sadd.s32 s2, s4;
	[dreg:$0x0] =	wrdreg $0x0  }
0xa8: {  	s4 =	sshll.u32 s28, $0x1;
	[dreg:$0x2] =	wrdreg s2  }
0xa9: {  	[dreg:$0x3] =	wrdreg s4  }
0xaa: {  	[dreg:$0x4] =	wrdreg $0xC0  }
0xab: {  	_ =	task [dreg:s6], $0x5FFFF  }
0xac: {  	[dreg:$0x1] =	wrdreg $0xFFFFFFFF  }
0xad: {  	[dreg:$0x0] =	wrdreg $0x60  }
0xae: {  	[dreg:$0x2] =	wrdreg s24  }
0xaf: {  	[dreg:$0x3] =	wrdreg $0x0  }
0xb0: {  	[dreg:$0x4] =	wrdreg $0x9  }
0xb1: {  	_ =	task.clear_ibuf [dreg:s6], $0x5FFFF;
	_ =	strace $0x9000004C  }
0xb2: {  	s29 =	simm.s32 $0x9;
	_ =	strace $0x8000004E  }
0xb3: {  	_ =	swait.ge [sflag:s29], $0x1  }
0xb4: {  	[sflag:s29] =	ssyncadd.s32 $0xFFFFFFFF  }
0xb5: {  	_ =	strace $0x9000004E  }
0xb6: {  	_ =	sfence  }
0xb7: {  	s30 =	sld [smem:$0x0];
	_ =	sdelay $0x2  }
0xb8: {  	s31 =	sshll.u32 s1, $0xD;
	s1 =	sshrl.u32 s1, $0x2  }
0xb9: {  	s3 =	sand.u32 $0x4000, s31;
	s1 =	sadd.s32 s1, s30  }
0xba: {  	s0 =	sor.u32 s3, s0;
	s1 =	sshll.u32 s1, $0x11  }
0xbb: {  	s0 =	sor.u32 s1, s0  }
0xbc: {  	s0 =	sadd.s32 $0x8F2B, s0  }
0xbd: {  	[sflag:s0] =	ssyncadd.remote.s32 $0x1  }
0xbe: {  	_ =	sfence.sel $0xFFFF  }
0xbf: {  	[dreg:$0x0] =	wrdreg $0xFFFFFFFF;
	(pc) =	sbr.abs _section_cstart, $3  }
0xc0: {  	[dreg:$0x1] =	wrdreg $0xFFFFFFFF  }
0xc1: {  	_ =	task.clear_ibuf [dreg:s6], $0x2FFFF;
	_ =	strace $0x9FFFFFFF  }
0xc2: {  	(tm) =	ssettm $0x7FFFFFFF  }
0xc3: {  	_ =	shalt  }
tec
execute0_lowered:
.L_overlay_start_1:
0x0: {  	(tag) =	ssettag $0x1  }
0x1: {  	s11 =	rddreg [dreg:$0x0]  }
0x2: {  	s1 =	rddreg [dreg:$0x1]  }
0x3: {  	s0 =	rddreg [dreg:$0x2]  }
0x4: {  	s2 =	simm.s32 $0x0;
	s5 =	srdreg.scid;
	s3 =	stileid.u32  }
0x5: {  	s17 =	simm.s32 $0x90400;
	s18 =	simm.s32 $0x16800;
	s19 =	simm.s32 $0x14080  }
0x6: {  	s20 =	simm.s32 $0x1A800;
	s21 =	simm.s32 $0x1;
	s22 =	simm.s32 $0x2  }
0x7: {  	s23 =	simm.s32 $0x16700;
	s24 =	simm.s32 $0x16780;
	s25 =	simm.s32 $0x0  }
0x8: {  	[smem:$0x7FF] =	sst s2;
	s4 =	sadd.s32 $0x18400, s11;
	s9 =	sadd.s32 $0x4400, s11  }
0x9: {  	s10 =	sadd.s32 $0xE400, s11;
	s8 =	sand.u32 $0x1, s5;
	s7 =	smul.u32 $0x50000, s3  }
0xa: {  	s13 =	smul.u32 $0x2800, s3;
	s29 =	sshll.u32 s3, $0x6;
	_ =	strace $0x8000004D  }
0xb: {  	s5 =	ssub.s32 $0x2, s8;
	s6 =	sshll.u32 s8, $0x4;
	p0 =	seq.s32 s8, $0x1  }
0xc: {  	s12 =	sshrl.u32 s5, $0x1;
	s6 =	sor.u32 s3, s6;
	s28 =	sshrl.u32 s7, $0x2  }
0xd: {  	s17 =	simm.s32 @!p0 $0x68400;
	s12 =	ssub.s32 s5, s12;
	s14 =	smul.u32 $0x500, s6  }
0xe: {  	s15 =	sadd.s32 s28, s1;
	s16 =	smul.u32 $0x2800, s6;
	s5 =	sadd.s32 s4, s13  }
0xf: {  	s6 =	sor.u32 $0x1C03, s29;
	s31 =	sadd.s32 s17, s11;
	s17 =	simm.s32 $0x80  }
0x10: {  	s11 =	smax.u32 s12, $0x1;
	s12 =	sadd.s32 s31, s13;
	s13 =	sshrl.u32 s15, $0x3  }
0x11: {  	s15 =	simm.s32 $0x14000;
	s7 =	sadd.s32 s9, s14;
	s16 =	sshrl.u32 s16, $0x3  }
0x12: {  	s8 =	sadd.s32 s10, s14;
	s14 =	simm.s32 $0x3;
	s30 =	sadd.s32 $0x280, s16  }
0x13: {  	s16 =	simm.s32 $0x15400;
	s9 =	sadd.s32 s9, s30;
	s10 =	sadd.s32 s10, s30  }
.LBB2_1:
0x14: {  	[spmem:s13], [sflag:s6] =	dma.local [hbm:s5], $0x2800  }
0x15: {  	_ =	swait.ge [sflag:s14], $0x2800  }
0x16: {  	[sflag:s14] =	ssyncset.done $0x0  }
0x17: {  	[sflag:s14] =	ssyncadd.s32 $0xFFFFD800  }
0x18: {  	[tilespmem:s15], [sflag:$0x3] =	stream.linear.gather [hbm4b:s7+s2], $0x1400, $0x38;
	[tilespmem:$0x1E800] =	vst v63  }
0x19: {  	_ =	swait.ge [sflag:s14], $0x1400  }
0x1a: {  	[sflag:s14] =	ssyncset.done $0x0  }
0x1b: {  	[sflag:s14] =	ssyncadd.s32 $0xFFFFEC00  }
0x1c: {  	[tilespmem:s16], [sflag:$0x3] =	stream.linear.gather [hbm4b:s8+s2], $0x1400, $0x38;
	[tilespmem:$0x1E800] =	vst v63  }
0x1d: {  	_ =	swait.ge [sflag:s14], $0x1400  }
0x1e: {  	[sflag:s14] =	ssyncset.done $0x0  }
0x1f: {  	[sflag:s14] =	ssyncadd.s32 $0xFFFFEC00  }
0x20: {  	[bflag:$0x0] =	sbarrier.arrive $0xFFFF  }
0x21: {  	[tilespmem:s18], [sflag:$0x1] =	stream.indirect.gather [hbm4b:s4+s17], $0x80, s15, s17, $0xb8;
	[tilespmem:$0x1E800] =	vst v63  }
0x22: {  	_ = 	snop  }
0x23: {  	[tilespmem:s20], [sflag:$0x2] =	stream.indirect.gather [hbm4b:s4+s17], $0x80, s19, s17, $0xb8;
	[tilespmem:$0x1E800] =	vst v63  }
0x24: {  	_ =	swait.ge [sflag:s21], $0x4000  }
0x25: {  	[sflag:s21] =	ssyncset.done $0x0  }
0x26: {  	s26 =	simm.s32 $0x15400;
	[sflag:s21] =	ssyncadd.s32 $0xFFFFC000  }
0x27: {  	[spmem:s1] =	stream.indirect.scatter.add.f32 [tilespmem:s18], [sflag:$0x3], $0x80, s26, s17, $0xb8;
	[tilespmem:$0x1E800] =	vst v63  }
0x28: {  	_ =	swait.ge [sflag:s14], $0x4000  }
0x29: {  	[sflag:s14] =	ssyncset.done $0x0  }
0x2a: {  	s30 =	simm.s32 $0x14100;
	[sflag:s14] =	ssyncadd.s32 $0xFFFFC000  }
0x2b: {  	[tilespmem:s18], [sflag:$0x1] =	stream.indirect.gather [hbm4b:s4+s17], $0x80, s30, s17, $0xb8;
	[tilespmem:$0x1E800] =	vst v63  }
0x2c: {  	_ =	swait.ge [sflag:s22], $0x4000  }
0x2d: {  	[sflag:s22] =	ssyncset.done $0x0  }
0x2e: {  	s31 =	simm.s32 $0x15480;
	[sflag:s22] =	ssyncadd.s32 $0xFFFFC000  }
0x2f: {  	[spmem:s1] =	stream.indirect.scatter.add.f32 [tilespmem:s20], [sflag:$0x3], $0x80, s31, s17, $0xb8;
	[tilespmem:$0x1E800] =	vst v63  }
0x30: {  	_ =	swait.ge [sflag:s14], $0x4000  }
0x31: {  	[sflag:s14] =	ssyncset.done $0x0  }
0x32: {  	s28 =	simm.s32 $0x14180;
	s26 =	simm.s32 $0x400;
	[sflag:s14] =	ssyncadd.s32 $0xFFFFC000  }
.LBB2_2:
0x33: {  	[tilespmem:s20], [sflag:$0x2] =	stream.indirect.gather [hbm4b:s4+s17], $0x80, s28, s17, $0xb8;
	[tilespmem:$0x1E800] =	vst v63  }
0x34: {  	s28 =	smov.u32 s26  }
0x35: {  	p0 =	sne.s32 s26, $0x4800;
	s26 =	sadd.s32 $0x400, s26;
	_ =	swait.ge [sflag:s21], $0x4000  }
0x36: {  	s28 =	sshra.s32 s28, $0x2;
	[sflag:s21] =	ssyncset.done $0x0  }
0x37: {  	s29 =	sadd.s32 $0x15400, s28;
	[sflag:s21] =	ssyncadd.s32 $0xFFFFC000  }
0x38: {  	[spmem:s1] =	stream.indirect.scatter.add.f32 [tilespmem:s18], [sflag:$0x3], $0x80, s29, s17, $0xb8;
	[tilespmem:$0x1E800] =	vst v63  }
0x39: {  	_ =	swait.ge [sflag:s14], $0x4000  }
0x3a: {  	[sflag:s14] =	ssyncset.done $0x0  }
0x3b: {  	s29 =	sadd.s32 $0x14100, s28;
	[sflag:s14] =	ssyncadd.s32 $0xFFFFC000  }
0x3c: {  	[tilespmem:s18], [sflag:$0x1] =	stream.indirect.gather [hbm4b:s4+s17], $0x80, s29, s17, $0xb8;
	[tilespmem:$0x1E800] =	vst v63  }
0x3d: {  	_ =	swait.ge [sflag:s22], $0x4000  }
0x3e: {  	[sflag:s22] =	ssyncset.done $0x0  }
.Ltmp0:
0x3f: {  	s29 =	sadd.s32 $0x15480, s28;
	[sflag:s22] =	ssyncadd.s32 $0xFFFFC000;
	(pc) =	sbr.rel @p0 .LBB2_2-.Ltmp0, $4  }
0x40: {  	[spmem:s1] =	stream.indirect.scatter.add.f32 [tilespmem:s20], [sflag:$0x3], $0x80, s29, s17, $0xb8;
	[tilespmem:$0x1E800] =	vst v63  }
0x41: {  	_ =	swait.ge [sflag:s14], $0x4000  }
0x42: {  	[sflag:s14] =	ssyncset.done $0x0  }
0x43: {  	s28 =	sadd.s32 $0x14180, s28;
	[sflag:s14] =	ssyncadd.s32 $0xFFFFC000  }
0x44: {  	[tilespmem:s20], [sflag:$0x2] =	stream.indirect.gather [hbm4b:s4+s17], $0x80, s28, s17, $0xb8;
	[tilespmem:$0x1E800] =	vst v63  }
0x45: {  	_ =	swait.ge [sflag:s21], $0x4000  }
0x46: {  	[sflag:s21] =	ssyncset.done $0x0  }
0x47: {  	[sflag:s21] =	ssyncadd.s32 $0xFFFFC000  }
0x48: {  	[spmem:s1] =	stream.indirect.scatter.add.f32 [tilespmem:s18], [sflag:$0x3], $0x80, s23, s17, $0xb8;
	[tilespmem:$0x1E800] =	vst v63  }
0x49: {  	_ =	swait.ge [sflag:s14], $0x4000  }
0x4a: {  	[sflag:s14] =	ssyncset.done $0x0  }
0x4b: {  	[sflag:s14] =	ssyncadd.s32 $0xFFFFC000  }
0x4c: {  	_ =	swait.ge [sflag:s22], $0x4000  }
0x4d: {  	[sflag:s22] =	ssyncset.done $0x0  }
0x4e: {  	[sflag:s22] =	ssyncadd.s32 $0xFFFFC000  }
0x4f: {  	[spmem:s1] =	stream.indirect.scatter.add.f32 [tilespmem:s20], [sflag:$0x3], $0x80, s24, s17, $0xb8;
	[tilespmem:$0x1E800] =	vst v63  }
0x50: {  	_ =	swait.ge [sflag:s14], $0x4000  }
0x51: {  	[sflag:s14] =	ssyncset.done $0x0  }
0x52: {  	s26 =	simm.s32 $0x0;
	[sflag:s14] =	ssyncadd.s32 $0xFFFFC000  }
0x53: {  	[tilespmem:s15], [sflag:$0x3] =	stream.linear.gather [hbm4b:s9+s26], $0x1400, $0x38;
	[tilespmem:$0x1E800] =	vst v63  }
0x54: {  	_ =	swait.ge [sflag:s14], $0x1400  }
0x55: {  	[sflag:s14] =	ssyncset.done $0x0  }
0x56: {  	[sflag:s14] =	ssyncadd.s32 $0xFFFFEC00  }
0x57: {  	[tilespmem:s16], [sflag:$0x3] =	stream.linear.gather [hbm4b:s10+s26], $0x1400, $0x38;
	[tilespmem:$0x1E800] =	vst v63  }
0x58: {  	_ =	swait.ge [sflag:s14], $0x1400  }
0x59: {  	[sflag:s14] =	ssyncset.done $0x0  }
0x5a: {  	[sflag:s14] =	ssyncadd.s32 $0xFFFFEC00  }
0x5b: {  	[tilespmem:s18], [sflag:$0x1] =	stream.indirect.gather [hbm4b:s4+s17], $0x80, s15, s17, $0xb8;
	[tilespmem:$0x1E800] =	vst v63  }
0x5c: {  	_ = 	snop  }
0x5d: {  	[tilespmem:s20], [sflag:$0x2] =	stream.indirect.gather [hbm4b:s4+s17], $0x80, s19, s17, $0xb8;
	[tilespmem:$0x1E800] =	vst v63  }
0x5e: {  	_ =	swait.ge [sflag:s21], $0x4000  }
0x5f: {  	[sflag:s21] =	ssyncset.done $0x0  }
0x60: {  	s29 =	simm.s32 $0x15400;
	[sflag:s21] =	ssyncadd.s32 $0xFFFFC000  }
0x61: {  	[spmem:s1] =	stream.indirect.scatter.add.f32 [tilespmem:s18], [sflag:$0x3], $0x80, s29, s17, $0xb8;
	[tilespmem:$0x1E800] =	vst v63  }
0x62: {  	_ =	swait.ge [sflag:s14], $0x4000  }
0x63: {  	[sflag:s14] =	ssyncset.done $0x0  }
0x64: {  	s30 =	simm.s32 $0x14100;
	[sflag:s14] =	ssyncadd.s32 $0xFFFFC000  }
0x65: {  	[tilespmem:s18], [sflag:$0x1] =	stream.indirect.gather [hbm4b:s4+s17], $0x80, s30, s17, $0xb8;
	[tilespmem:$0x1E800] =	vst v63  }
0x66: {  	_ =	swait.ge [sflag:s22], $0x4000  }
0x67: {  	[sflag:s22] =	ssyncset.done $0x0  }
0x68: {  	s31 =	simm.s32 $0x15480;
	[sflag:s22] =	ssyncadd.s32 $0xFFFFC000  }
0x69: {  	[spmem:s1] =	stream.indirect.scatter.add.f32 [tilespmem:s20], [sflag:$0x3], $0x80, s31, s17, $0xb8;
	[tilespmem:$0x1E800] =	vst v63  }
0x6a: {  	_ =	swait.ge [sflag:s14], $0x4000  }
0x6b: {  	[sflag:s14] =	ssyncset.done $0x0  }
0x6c: {  	s28 =	simm.s32 $0x14180;
	s26 =	simm.s32 $0x400;
	[sflag:s14] =	ssyncadd.s32 $0xFFFFC000  }
.LBB2_4:
0x6d: {  	[tilespmem:s20], [sflag:$0x2] =	stream.indirect.gather [hbm4b:s4+s17], $0x80, s28, s17, $0xb8;
	[tilespmem:$0x1E800] =	vst v63  }
0x6e: {  	s28 =	smov.u32 s26  }
0x6f: {  	p0 =	sne.s32 s26, $0x4800;
	s26 =	sadd.s32 $0x400, s26;
	_ =	swait.ge [sflag:s21], $0x4000  }
0x70: {  	s28 =	sshra.s32 s28, $0x2;
	[sflag:s21] =	ssyncset.done $0x0  }
0x71: {  	s29 =	sadd.s32 $0x15400, s28;
	[sflag:s21] =	ssyncadd.s32 $0xFFFFC000  }
0x72: {  	[spmem:s1] =	stream.indirect.scatter.add.f32 [tilespmem:s18], [sflag:$0x3], $0x80, s29, s17, $0xb8;
	[tilespmem:$0x1E800] =	vst v63  }
0x73: {  	_ =	swait.ge [sflag:s14], $0x4000  }
0x74: {  	[sflag:s14] =	ssyncset.done $0x0  }
0x75: {  	s29 =	sadd.s32 $0x14100, s28;
	[sflag:s14] =	ssyncadd.s32 $0xFFFFC000  }
0x76: {  	[tilespmem:s18], [sflag:$0x1] =	stream.indirect.gather [hbm4b:s4+s17], $0x80, s29, s17, $0xb8;
	[tilespmem:$0x1E800] =	vst v63  }
0x77: {  	_ =	swait.ge [sflag:s22], $0x4000  }
0x78: {  	[sflag:s22] =	ssyncset.done $0x0  }
.Ltmp1:
0x79: {  	s29 =	sadd.s32 $0x15480, s28;
	[sflag:s22] =	ssyncadd.s32 $0xFFFFC000;
	(pc) =	sbr.rel @p0 .LBB2_4-.Ltmp1, $4  }
0x7a: {  	[spmem:s1] =	stream.indirect.scatter.add.f32 [tilespmem:s20], [sflag:$0x3], $0x80, s29, s17, $0xb8;
	[tilespmem:$0x1E800] =	vst v63  }
0x7b: {  	_ =	swait.ge [sflag:s14], $0x4000  }
0x7c: {  	[sflag:s14] =	ssyncset.done $0x0  }
0x7d: {  	s28 =	sadd.s32 $0x14180, s28;
	[sflag:s14] =	ssyncadd.s32 $0xFFFFC000  }
0x7e: {  	[tilespmem:s20], [sflag:$0x2] =	stream.indirect.gather [hbm4b:s4+s17], $0x80, s28, s17, $0xb8;
	[tilespmem:$0x1E800] =	vst v63  }
0x7f: {  	_ =	swait.ge [sflag:s21], $0x4000  }
0x80: {  	[sflag:s21] =	ssyncset.done $0x0  }
0x81: {  	[sflag:s21] =	ssyncadd.s32 $0xFFFFC000  }
0x82: {  	[spmem:s1] =	stream.indirect.scatter.add.f32 [tilespmem:s18], [sflag:$0x3], $0x80, s23, s17, $0xb8;
	[tilespmem:$0x1E800] =	vst v63  }
0x83: {  	_ =	swait.ge [sflag:s14], $0x4000  }
0x84: {  	[sflag:s14] =	ssyncset.done $0x0  }
0x85: {  	[sflag:s14] =	ssyncadd.s32 $0xFFFFC000  }
0x86: {  	_ =	swait.ge [sflag:s22], $0x4000  }
0x87: {  	[sflag:s22] =	ssyncset.done $0x0  }
0x88: {  	[sflag:s22] =	ssyncadd.s32 $0xFFFFC000  }
0x89: {  	[spmem:s1] =	stream.indirect.scatter.add.f32 [tilespmem:s20], [sflag:$0x3], $0x80, s24, s17, $0xb8;
	[tilespmem:$0x1E800] =	vst v63  }
0x8a: {  	_ =	swait.ge [sflag:s14], $0x4000  }
0x8b: {  	s25 =	sadd.s32 $0x1, s25;
	[sflag:s14] =	ssyncset.done $0x0  }
0x8c: {  	p0 =	sne.s32 s25, s11;
	[sflag:s14] =	ssyncadd.s32 $0xFFFFC000  }
.Ltmp2:
0x8d: {  	[bflag:$0x0] =	sbarrier.arrive $0xFFFF;
	(pc) =	sbr.rel @p0 .LBB2_1-.Ltmp2, $4  }
0x8e: {  	[hbm:s12], [sflag:s6] =	dma.local [spmem:s13], $0x2800  }
0x8f: {  	_ =	swait.ge [sflag:s14], $0x2800  }
0x90: {  	[sflag:s14] =	ssyncset.done $0x0  }
0x91: {  	[sflag:s14] =	ssyncadd.s32 $0xFFFFD800  }
0x92: {  	_ =	sfence.sel $0x180000  }
0x93: {  	[bflag:$0x0] =	sbarrier.arrive $0xFFFF  }
0x94: {  	p0 =	sne.s32 s3, $0x0;
	_ =	strace $0x9000004D  }
0x95: {  	s0 =	sadd.s32 @!p0 $0x100000, s0;
	[bflag:$0x2] =	sbarrier.arrive $0xFFFF  }
0x96: {  	[sflag:s0] =	ssyncadd.tile.s32 @!p0 $0x1;
	_ =	shalt  }
.Lfunc_end2:
_tile_overlayer_lowered:
.L_overlay_start_2:
0x97: {  	(tag) =	ssettag $0x2  }
0x98: {  	s0 =	rddreg [dreg:$0x0];
	s2 =	stileid.u32  }
0x99: {  	s1 =	rddreg [dreg:$0x1];
	p0 =	sne.s32 s2, $0x0  }
0x9a: {  	s3 =	rddreg [dreg:$0x2];
	[bflag:$0x3] =	sbarrier.arrive $0xFFFF;
	s2 =	simm.s32 @!p0 $0x1C03  }
0x9b: {  	[timem:s3], [sflag:s2] =	dma.local @!p0 [hbm:s0], s1  }
0x9c: {  	s0 =	simm.s32 @!p0 $0x3  }
0x9d: {  	_ =	swait.ge @!p0 [sflag:s0], s1  }
0x9e: {  	s1 =	ssub.s32 @!p0 $0x0, s1;
	[sflag:s0] =	ssyncset.done @!p0 $0x0  }
0x9f: {  	[sflag:s0] =	ssyncadd.s32 @!p0 s1  }
0xa0: {  	[bflag:$0x3] =	sbarrier.arrive $0xFFFF  }
0xa1: {  	_ =	shalt  }

// kernel: kernel.9.cloned.1.call-start
scs
__scs_entry_jumppad:
0x0: {  	(pc) =	sbr.rel $0x88, $3  }
0x1: {  	(tag) =	ssettag $0x0;
	lr =	simm.s32 $0x1  }
0x2: {  	[smem:$0x3F99] =	sst lr;
	_ =	strace $0xD0000000  }
0x3: {  	_ = 	snop  }
0x4: {  	_ = 	snop  }
0x5: {  	_ = 	snop  }
0x6: {  	_ = 	snop  }
0x7: {  	_ = 	snop  }
__scs_overlays_trampoline_lowered:
0x8: {  	[smem:$0x3FA8] =	sst s0  }
0x9: {  	[smem:$0x3FA9] =	sst s1  }
0xa: {  	[smem:$0x3FAA] =	sst s2  }
0xb: {  	[smem:$0x3FAB] =	sst s3  }
0xc: {  	[smem:$0x3FAC] =	sst s4  }
0xd: {  	[smem:$0x3FAD] =	sst s5  }
0xe: {  	[smem:$0x3FAE] =	sst s6  }
0xf: {  	[smem:$0x3FAF] =	sst s7  }
0x10: {  	[smem:$0x3FB0] =	sst s8  }
0x11: {  	[smem:$0x3FB1] =	sst s9;
	s0 =	simm.s32 @!p0 $0x0  }
0x12: {  	s1 =	sld [smem:$0x3F97];
	s0 =	simm.s32 @p0 $0x1  }
0x13: {  	[smem:$0x3FB2] =	sst s0;
	s0 =	simm.s32 @!p1 $0x0  }
0x14: {  	s2 =	sld [smem:$0x3F96];
	s0 =	simm.s32 @p1 $0x1  }
0x15: {  	[smem:$0x3FB3] =	sst s0;
	s0 =	simm.s32 @!p2 $0x0  }
0x16: {  	s3 =	sld [smem:$0x3FDB];
	s0 =	simm.s32 @p2 $0x1  }
0x17: {  	s4 =	simm.s32 $0x1BF5;
	[smem:$0x3FB5] =	sst s0  }
0x18: {  	s0 =	sld [smem:$0x3F98];
	_ =	swait.ge [sflag:s4], $0x0  }
0x19: {  	s7 =	sld [smem:$0x3F99]  }
0x1a: {  	s8 =	sadd.s32 $0xFFFFE003, lr  }
0x1b: {  	s9 =	sadd.s32 $0xFFFFFEF7, lr;
	s5 =	simm.s32 $0xFFFFFFFF;
	p2 =	slt.u32 s8, $0xFFFFF086  }
0x1c: {  	p1 =	slt.u32 s9, $0xF7A;
	s5 =	simm.s32 @!p2 $0x0  }
0x1d: {  	s5 =	simm.s32 @p1 $0x1;
	p0 =	seq.s32 s7, s2  }
0x1e: {  	s7 =	smul.u32 @!p0 $0xF7A, s2;
	p2 =	seq.s32 @!p0 s5, $0x0  }
0x1f: {  	s9 =	smul.u32 $0xF7A, s1;
	s8 =	simm.s32 @!p0 $0x1BF5;
	p2 =	por !p2, p0  }
0x20: {  	[sflag:s8] =	ssyncset.s32 @!p0 $0xFFFFF086;
	s6 =	sadd.s32 @!p0 s3, s7;
	s7 =	simm.s32 @!p0 $0x108  }
0x21: {  	s3 =	sadd.s32 s3, s9;
	s6 =	sadd.s32 @!p0 $0x88, s6;
	s7 =	simm.s32 @p2 $0x1082  }
0x22: {  	[simem:s7], [sflag:s8] =	dma.local @!p0 [hbm:s6], $0xF7A  }
0x23: {  	s9 =	sor.u32 $0xD0000000, s2;
	s6 =	simm.s32 $0x108;
	_ =	swait.ge @!p0 [sflag:s8], $0x0  }
0x24: {  	s3 =	sadd.s32 $0x88, s3;
	s6 =	simm.s32 @!p1 $0x1082;
	[sflag:s4] =	ssyncset.s32 $0xFFFFF086  }
0x25: {  	[simem:s6], [sflag:s4] =	dma.local [hbm:s3], $0xF7A  }
0x26: {  	[smem:$0x3F99] =	sst s1;
	(tag) =	ssettag s2;
	_ =	strace s9  }
0x27: {  	s1 =	sld [smem:$0x3FA9]  }
0x28: {  	s2 =	sld [smem:$0x3FAA]  }
0x29: {  	s4 =	sld [smem:$0x3FAC]  }
0x2a: {  	p0 =	seq.s32 s5, $0x0;
	s5 =	sld [smem:$0x3FAD]  }
0x2b: {  	s6 =	sld [smem:$0x3FAE]  }
0x2c: {  	s7 =	sld [smem:$0x3FAF]  }
0x2d: {  	s3 =	simm.s32 $0x108;
	s8 =	sld [smem:$0x3FB0]  }
0x2e: {  	s3 =	simm.s32 @!p0 $0x1082;
	s9 =	sld [smem:$0x3FB1]  }
0x2f: {  	lr =	sadd.s32 s0, s3;
	s0 =	sld [smem:$0x3FA8]  }
0x30: {  	s3 =	sld [smem:$0x3FAB]  }
0x31: {  	[smem:$0x3FB4] =	sst s10  }
0x32: {  	s10 =	sld [smem:$0x3FB2];
	_ =	sdelay $0x3  }
0x33: {  	p0 =	seq.s32 s10, $0x1;
	s10 =	sld [smem:$0x3FB4];
	_ =	sdelay $0x3  }
0x34: {  	[smem:$0x3FB4] =	sst s10  }
0x35: {  	s10 =	sld [smem:$0x3FB3];
	_ =	sdelay $0x3  }
0x36: {  	p1 =	seq.s32 s10, $0x1;
	s10 =	sld [smem:$0x3FB4];
	_ =	sdelay $0x3  }
0x37: {  	[smem:$0x3FB4] =	sst s10  }
0x38: {  	s10 =	sld [smem:$0x3FB5]  }
0x39: {  	_ = 	snop;
	(pc) =	sbr.ind lr, $3  }
0x3a: {  	_ = 	snop  }
0x3b: {  	_ = 	snop  }
0x3c: {  	p2 =	seq.s32 s10, $0x1;
	s10 =	sld [smem:$0x3FB4]  }
0x3d: {  	_ =	shalt  }
0x3e: {  	_ =	shalt  }
0x3f: {  	_ =	shalt  }
0x40: {  	_ =	shalt  }
0x41: {  	_ =	shalt  }
0x42: {  	_ =	shalt  }
0x43: {  	_ =	shalt  }
0x44: {  	_ =	shalt  }
0x45: {  	_ =	shalt  }
0x46: {  	_ =	shalt  }
0x47: {  	_ =	shalt  }
0x48: {  	_ =	shalt  }
0x49: {  	_ =	shalt  }
0x4a: {  	_ =	shalt  }
0x4b: {  	_ =	shalt  }
0x4c: {  	_ =	shalt  }
0x4d: {  	_ =	shalt  }
0x4e: {  	_ =	shalt  }
0x4f: {  	_ =	shalt  }
0x50: {  	_ =	shalt  }
0x51: {  	_ =	shalt  }
0x52: {  	_ =	shalt  }
0x53: {  	_ =	shalt  }
0x54: {  	_ =	shalt  }
0x55: {  	_ =	shalt  }
0x56: {  	_ =	shalt  }
0x57: {  	_ =	shalt  }
0x58: {  	_ =	shalt  }
0x59: {  	_ =	shalt  }
0x5a: {  	_ =	shalt  }
0x5b: {  	_ =	shalt  }
0x5c: {  	_ =	shalt  }
0x5d: {  	_ =	shalt  }
0x5e: {  	_ =	shalt  }
0x5f: {  	_ =	shalt  }
0x60: {  	_ =	shalt  }
0x61: {  	_ =	shalt  }
0x62: {  	_ =	shalt  }
0x63: {  	_ =	shalt  }
0x64: {  	_ =	shalt  }
0x65: {  	_ =	shalt  }
0x66: {  	_ =	shalt  }
0x67: {  	_ =	shalt  }
0x68: {  	_ =	shalt  }
0x69: {  	_ =	shalt  }
0x6a: {  	_ =	shalt  }
0x6b: {  	_ =	shalt  }
0x6c: {  	_ =	shalt  }
0x6d: {  	_ =	shalt  }
0x6e: {  	_ =	shalt  }
0x6f: {  	_ =	shalt  }
0x70: {  	_ =	shalt  }
0x71: {  	_ =	shalt  }
0x72: {  	_ =	shalt  }
0x73: {  	_ =	shalt  }
0x74: {  	_ =	shalt  }
0x75: {  	_ =	shalt  }
0x76: {  	_ =	shalt  }
0x77: {  	_ =	shalt  }
0x78: {  	_ =	shalt  }
0x79: {  	_ =	shalt  }
0x7a: {  	_ =	shalt  }
0x7b: {  	_ =	shalt  }
0x7c: {  	_ =	shalt  }
0x7d: {  	_ =	shalt  }
0x7e: {  	_ =	shalt  }
0x7f: {  	_ =	shalt  }
0x80: {  	_ =	shalt  }
0x81: {  	_ =	shalt  }
0x82: {  	_ =	shalt  }
0x83: {  	_ =	shalt  }
0x84: {  	_ =	shalt  }
0x85: {  	_ =	shalt  }
0x86: {  	_ =	shalt  }
0x87: {  	_ =	shalt  }
.Lfunc_end0:
.L_simem_size_0:
called_computation_lowered:
.L_overlay_start_0:
0x88: {  	s2 =	sld [smem:$0x3FD9]  }
0x89: {  	s3 =	sld [smem:$0x3FFE];
	_ =	sdelay $0x1  }
0x8a: {  	s1 =	srdreg.scid  }
0x8b: {  	s0 =	sand.u32 $0x1, s1  }
0x8c: {  	s17 =	sshll.u32 s0, $0xA;
	s2 =	sadd.s32 s3, s2  }
0x8d: {  	s2 =	sadd.s32 s2, s17  }
0x8e: {  	[smem:$0x3FC0] =	sst s2  }
0x8f: {  	_ = 	snop  }
0x90: {  	s2 =	sld [smem:$0x3FD0];
	(tm) =	ssettm $0x1  }
0x91: {  	s18 =	sld [smem:$0x3FFB];
	_ =	sdelay $0x3  }
0x92: {  	_ =	strace s18  }
0x93: {  	s3 =	sld [smem:$0x3FFC];
	_ =	sdelay $0x3  }
0x94: {  	_ =	strace s3  }
0x95: {  	s3 =	sld [smem:$0x3FFD];
	_ =	sdelay $0x3  }
0x96: {  	_ =	strace s3  }
0x97: {  	_ =	strace $0x8FFFFFFF  }
0x98: {  	s19 =	sld [smem:$0x3FDB];
	_ =	sdelay $0x1  }
0x99: {  	s4 =	simm.s32 $_scs_section_size  }
0x9a: {  	s5 =	simm.s32 $_size__tile_overlayer_lowered;
	s6 =	simm.s32 $_tile_overlayer_lowered  }
0x9b: {  	s22 =	simm.s32 $0x1BFF;
	s21 =	sshll.u32 s6, $0x1;
	s3 =	sadd.s32 s4, s19  }
0x9c: {  	s7 =	simm.s32 $0x0;
	s20 =	sshll.u32 s5, $0x1;
	s5 =	sadd.s32 s21, s3  }
0x9d: {  	[timem:s7], [sflag:s22] =	dma.local [hbm:s5], s20  }
0x9e: {  	_ =	swait.ge [sflag:s22], s20  }
0x9f: {  	s4 =	ssub.s32 $0x0, s20;
	[sflag:s22] =	ssyncset.done $0x0  }
0xa0: {  	[sflag:s22] =	ssyncadd.s32 s4;
	_ =	sdelay $0x1  }
0xa1: {  	s23 =	simm.s32 $0x1B8B  }
0xa2: {  	_ =	swait.ge [sflag:s23], $0x1  }
0xa3: {  	[sflag:s23] =	ssyncset.done $0x0  }
0xa4: {  	s25 =	simm.s32 $0x1B8E;
	s24 =	sld [smem:$0x3FFE];
	[sflag:s23] =	ssyncadd.s32 $0xFFFFFFFF  }
0xa5: {  	s26 =	simm.s32 $execute0_lowered;
	[smem:$0x3FD2] =	sst s25  }
0xa6: {  	s5 =	sshll.u32 s26, $0x1;
	_ =	strace $0x80000046;
	[dreg:$0x1] =	wrdreg $0xFFFFFFFF  }
0xa7: {  	s28 =	simm.s32 $_size_execute0_lowered;
	s3 =	sadd.s32 s3, s5;
	[dreg:$0x0] =	wrdreg $0x0  }
0xa8: {  	s5 =	sshll.u32 s28, $0x1;
	[dreg:$0x2] =	wrdreg s3  }
0xa9: {  	[dreg:$0x3] =	wrdreg s5  }
0xaa: {  	[dreg:$0x4] =	wrdreg $0xC0  }
0xab: {  	_ =	task [dreg:s7], $0x5FFFF  }
0xac: {  	[dreg:$0x1] =	wrdreg $0xFFFFFFFF  }
0xad: {  	[dreg:$0x0] =	wrdreg $0x60  }
0xae: {  	[dreg:$0x2] =	wrdreg s24  }
0xaf: {  	[dreg:$0x3] =	wrdreg s2  }
0xb0: {  	[dreg:$0x4] =	wrdreg $0x0  }
0xb1: {  	[dreg:$0x5] =	wrdreg $0x9  }
0xb2: {  	_ =	task.clear_ibuf [dreg:s7], $0x6FFFF;
	_ =	strace $0x90000046  }
0xb3: {  	s29 =	simm.s32 $0x9;
	_ =	strace $0x80000048  }
0xb4: {  	_ =	swait.ge [sflag:s29], $0x1  }
0xb5: {  	[sflag:s29] =	ssyncadd.s32 $0xFFFFFFFF  }
0xb6: {  	_ =	strace $0x90000048  }
0xb7: {  	_ =	sfence  }
0xb8: {  	s30 =	sld [smem:$0x0];
	_ =	sdelay $0x2  }
0xb9: {  	s31 =	sshll.u32 s1, $0xD;
	s1 =	sshrl.u32 s1, $0x2  }
0xba: {  	s3 =	sand.u32 $0x4000, s31;
	s1 =	sadd.s32 s1, s30  }
0xbb: {  	s0 =	sor.u32 s3, s0;
	s1 =	sshll.u32 s1, $0x11  }
0xbc: {  	s0 =	sor.u32 s1, s0  }
0xbd: {  	s0 =	sadd.s32 $0x8F2B, s0  }
0xbe: {  	[sflag:s0] =	ssyncadd.remote.s32 $0x1  }
0xbf: {  	_ =	sfence.sel $0xFFFF  }
0xc0: {  	[dreg:$0x0] =	wrdreg $0xFFFFFFFF;
	(pc) =	sbr.abs _section_cstart, $3  }
0xc1: {  	[dreg:$0x1] =	wrdreg $0xFFFFFFFF  }
0xc2: {  	_ =	task.clear_ibuf [dreg:s7], $0x2FFFF;
	_ =	strace $0x9FFFFFFF  }
0xc3: {  	(tm) =	ssettm $0x7FFFFFFF  }
tec
execute0_lowered:
.L_overlay_start_1:
0x0: {  	(tag) =	ssettag $0x1  }
0x1: {  	s4 =	rddreg [dreg:$0x0]  }
0x2: {  	s0 =	srdreg.scid;
	s7 =	rddreg [dreg:$0x1]  }
0x3: {  	s2 =	rddreg [dreg:$0x2];
	s1 =	stileid.u32  }
0x4: {  	s3 =	simm.s32 $0x0;
	s5 =	sand.u32 $0x1, s0;
	s0 =	rddreg [dreg:$0x3]  }
0x5: {  	s12 =	simm.s32 $0x2A80;
	s15 =	simm.s32 $0x0;
	[smem:$0x7FF] =	sst s3  }
0x6: {  	s10 =	smul.u32 $0x280, s1;
	s11 =	sadd.s32 $0x18400, s4;
	s13 =	sshll.u32 s1, $0x6  }
0x7: {  	s6 =	sshll.u32 s5, $0x4;
	_ =	strace $0x80000047;
	s8 =	ssub.s32 $0x2, s5  }
0x8: {  	p0 =	seq.s32 s5, $0x1;
	s13 =	sor.u32 $0x1C01, s13;
	s6 =	sor.u32 s1, s6  }
0x9: {  	s9 =	sshrl.u32 s8, $0x1;
	s31 =	sshrl.u32 s10, $0x3;
	s6 =	smul.u32 $0x500, s6  }
0xa: {  	s7 =	smov.u32 @p0 s11;
	s11 =	simm.s32 $0x80;
	s8 =	ssub.s32 s8, s9  }
0xb: {  	s7 =	sadd.s32 s7, s31;
	s9 =	simm.s32 $0x1;
	s6 =	sadd.s32 s6, s4  }
0xc: {  	s4 =	sadd.s32 s10, s2;
	s10 =	simm.s32 $0x280;
	s5 =	sadd.s32 $0xE400, s6  }
0xd: {  	v0 =	vimm.f32 $0.0e+00;
	v1 =	vimm.f32 $1.000000000e+00;
	s6 =	smax.u32 s8, $0x1;
	s8 =	simm.s32 $0x2B00;
	s14 =	sshrl.u32 s4, $0x3  }
.LBB2_1:
0xe: {  	[tilespmem:$0x2B00] =	vst v0  }
0xf: {  	[tilespmem:$0x2B10] =	vst v0  }
0x10: {  	[tilespmem:$0x2B20] =	vst v0  }
0x11: {  	[tilespmem:$0x2B30] =	vst v0  }
0x12: {  	[tilespmem:$0x2B40] =	vst v0  }
0x13: {  	[tilespmem:$0x2B50] =	vst v0  }
0x14: {  	[tilespmem:$0x2B60] =	vst v0  }
0x15: {  	[tilespmem:$0x2B70] =	vst v0  }
0x16: {  	[tilespmem:$0x2B80] =	vst v0  }
0x17: {  	[tilespmem:$0x2B90] =	vst v0  }
0x18: {  	[tilespmem:$0x2BA0] =	vst v0  }
0x19: {  	[tilespmem:$0x2BB0] =	vst v0  }
0x1a: {  	[tilespmem:$0x2BC0] =	vst v0  }
0x1b: {  	[tilespmem:$0x2BD0] =	vst v0  }
0x1c: {  	[tilespmem:$0x2BE0] =	vst v0  }
0x1d: {  	[tilespmem:$0x2BF0] =	vst v0  }
0x1e: {  	[tilespmem:$0x2C00] =	vst v0  }
0x1f: {  	[tilespmem:$0x2C10] =	vst v0  }
0x20: {  	[tilespmem:$0x2C20] =	vst v0  }
0x21: {  	[tilespmem:$0x2C30] =	vst v0  }
0x22: {  	[tilespmem:$0x2C40] =	vst v0  }
0x23: {  	[tilespmem:$0x2C50] =	vst v0  }
0x24: {  	[tilespmem:$0x2C60] =	vst v0  }
0x25: {  	[tilespmem:$0x2C70] =	vst v0  }
0x26: {  	[tilespmem:$0x2C80] =	vst v0  }
0x27: {  	[tilespmem:$0x2C90] =	vst v0  }
0x28: {  	[tilespmem:$0x2CA0] =	vst v0  }
0x29: {  	[tilespmem:$0x2CB0] =	vst v0  }
0x2a: {  	[tilespmem:$0x2CC0] =	vst v0  }
0x2b: {  	[tilespmem:$0x2CD0] =	vst v0  }
0x2c: {  	[tilespmem:$0x2CE0] =	vst v0  }
0x2d: {  	[tilespmem:$0x2CF0] =	vst v0  }
0x2e: {  	[tilespmem:$0x2D00] =	vst v0  }
0x2f: {  	[tilespmem:$0x2D10] =	vst v0  }
0x30: {  	[tilespmem:$0x2D20] =	vst v0  }
0x31: {  	[tilespmem:$0x2D30] =	vst v0  }
0x32: {  	[tilespmem:$0x2D40] =	vst v0  }
0x33: {  	[tilespmem:$0x2D50] =	vst v0  }
0x34: {  	[tilespmem:$0x2D60] =	vst v0  }
0x35: {  	[tilespmem:$0x2D70] =	vst v0  }
0x36: {  	[tilespmem:$0x2A80] =	vst v1  }
0x37: {  	[tilespmem:$0x2A90] =	vst v1  }
0x38: {  	[tilespmem:$0x2AA0] =	vst v1  }
0x39: {  	[tilespmem:$0x2AB0] =	vst v1  }
0x3a: {  	[tilespmem:$0x2AC0] =	vst v1  }
0x3b: {  	[tilespmem:$0x2AD0] =	vst v1  }
0x3c: {  	[tilespmem:$0x2AE0] =	vst v1  }
0x3d: {  	[tilespmem:$0x2AF0] =	vst v1  }
0x3e: {  	[spmem:s4] =	stream.linear.scatter [tilespmem:s8], [sflag:$0x1], $0x280, $0x38;
	[tilespmem:$0x2D80] =	vst v63  }
0x3f: {  	_ =	swait.ge [sflag:s9], $0x280  }
0x40: {  	[sflag:s9] =	ssyncset.done $0x0  }
0x41: {  	[sflag:s9] =	ssyncadd.s32 $0xFFFFFD80  }
0x42: {  	[tilespmem:s10], [sflag:$0x1] =	stream.linear.gather [hbm4b:s5+s3], $0x2800, $0x38;
	[tilespmem:$0x2D80] =	vst v63  }
0x43: {  	_ =	swait.ge [sflag:s9], $0x2800  }
0x44: {  	[sflag:s9] =	ssyncset.done $0x0  }
0x45: {  	[sflag:s9] =	ssyncadd.s32 $0xFFFFD800  }
0x46: {  	s16 =	simm.s32 $0x280;
	[bflag:$0x0] =	sbarrier.arrive $0xFFFF  }
0x47: {  	[spmem:s2] =	stream.indirect.scatter.add.f32 [tilespmem:s12], [sflag:$0x1], $0x1, s16, s11, $0xb8;
	[tilespmem:$0x2D80] =	vst v63  }
0x48: {  	s16 =	simm.s32 $0x200;
	_ =	swait.ge [sflag:s9], $0x80  }
.LBB2_2:
0x49: {  	s17 =	sshra.s32 s16, $0x2;
	[sflag:s9] =	ssyncset.done $0x0;
	p0 =	sne.s32 s16, $0x9E00  }
.Ltmp0:
0x4a: {  	s17 =	sadd.s32 $0x280, s17;
	[sflag:s9] =	ssyncadd.s32 $0xFFFFFF80;
	(pc) =	sbr.rel @p0 .LBB2_2-.Ltmp0, $3  }
0x4b: {  	[spmem:s2] =	stream.indirect.scatter.add.f32 [tilespmem:s12], [sflag:$0x1], $0x1, s17, s11, $0xb8;
	[tilespmem:$0x2D80] =	vst v63  }
0x4c: {  	s16 =	sadd.s32 $0x200, s16;
	_ =	sdelay $0x1  }
0x4d: {  	_ =	swait.ge [sflag:s9], $0x80  }
0x4e: {  	[sflag:s9] =	ssyncset.done $0x0;
	s15 =	sadd.s32 $0x1, s15  }
0x4f: {  	[sflag:s9] =	ssyncadd.s32 $0xFFFFFF80;
	p0 =	sne.s32 s15, s6  }
.Ltmp1:
0x50: {  	[bflag:$0x0] =	sbarrier.arrive $0xFFFF;
	(pc) =	sbr.rel @p0 .LBB2_1-.Ltmp1, $4  }
0x51: {  	[hbm:s7], [sflag:s13] =	dma.local [spmem:s14], $0x50  }
0x52: {  	_ =	swait.ge [sflag:s9], $0x50  }
0x53: {  	[sflag:s9] =	ssyncset.done $0x0  }
0x54: {  	[sflag:s9] =	ssyncadd.s32 $0xFFFFFFB0  }
0x55: {  	_ =	sfence.sel $0x180000  }
0x56: {  	[bflag:$0x0] =	sbarrier.arrive $0xFFFF  }
0x57: {  	p0 =	sne.s32 s1, $0x0;
	_ =	strace $0x90000047  }
0x58: {  	s0 =	sadd.s32 @!p0 $0x100000, s0;
	[bflag:$0x2] =	sbarrier.arrive $0xFFFF  }
0x59: {  	[sflag:s0] =	ssyncadd.tile.s32 @!p0 $0x1;
	_ =	shalt  }
.Lfunc_end2:
_tile_overlayer_lowered:
.L_overlay_start_2:
0x5a: {  	(tag) =	ssettag $0x2  }
0x5b: {  	s0 =	rddreg [dreg:$0x0];
	s2 =	stileid.u32  }
0x5c: {  	s1 =	rddreg [dreg:$0x1];
	p0 =	sne.s32 s2, $0x0  }
0x5d: {  	s3 =	rddreg [dreg:$0x2];
	[bflag:$0x3] =	sbarrier.arrive $0xFFFF;
	s2 =	simm.s32 @!p0 $0x1C01  }
0x5e: {  	[timem:s3], [sflag:s2] =	dma.local @!p0 [hbm:s0], s1  }
0x5f: {  	s0 =	simm.s32 @!p0 $0x1  }
0x60: {  	_ =	swait.ge @!p0 [sflag:s0], s1  }
0x61: {  	s1 =	ssub.s32 @!p0 $0x0, s1;
	[sflag:s0] =	ssyncset.done @!p0 $0x0  }
0x62: {  	[sflag:s0] =	ssyncadd.s32 @!p0 s1  }
0x63: {  	[bflag:$0x3] =	sbarrier.arrive $0xFFFF  }
0x64: {  	_ =	shalt  }

</sc_bundles>
